<compile_context>
chip_gen: v7x
topology: tpu7x:2x2x1
jax: 0.10.2.dev20260603
libtpu: 0.0.44.dev20260713+nightly
codegen_flags: <defaults>
</compile_context>

<pallas_src>
import functools

import jax
import jax.numpy as jnp
from jax import lax
from jax.experimental import pallas as pl
from jax.experimental.pallas import tpu as pltpu
from jax.experimental.pallas import tpu_sc as plsc

NC = 2
NS = 16
L = 16
NW = NC * NS

_TC_BLK = 8192
_TC_SHIFT = _TC_BLK.bit_length() - 1


def _make_relayout(V, D):
  grid = (V + 2 * _TC_BLK - 1) // (2 * _TC_BLK)
  nchunk = V // _TC_BLK

  def relayout_block(even_ref, odd_ref, tail_ref, out_ref):
    i = pl.program_id(0)

    @pl.when(i < grid - 1)
    def _():
      out_ref[...] = jnp.concatenate(
          [even_ref[...].T, odd_ref[...].T], axis=1)

    @pl.when(i == grid - 1)
    def _():
      t = tail_ref[...].T
      out_ref[...] = jnp.concatenate([t, t], axis=1)

  return pl.pallas_call(
      relayout_block,
      grid=(grid,),
      in_specs=[
          pl.BlockSpec((D, _TC_BLK),
                       lambda i: (0, jnp.minimum(2 * i, nchunk - 2))),
          pl.BlockSpec((D, _TC_BLK),
                       lambda i: (0, jnp.minimum(2 * i + 1, nchunk - 1))),
          pl.BlockSpec((D, _TC_BLK), lambda i: (0, 0)),
      ],
      out_specs=pl.BlockSpec((_TC_BLK, 2 * D), lambda i: (i, 0)),
      out_shape=jax.ShapeDtypeStruct((grid * _TC_BLK, 2 * D),
                                     jnp.float32),
  )


def _make_lookup_mean(VR, D, S, B):
  assert B % NW == 0
  b_per_w = B // NW
  assert b_per_w % 8 == 0

  mesh = plsc.VectorSubcoreMesh(core_axis_name="c", subcore_axis_name="s")

  @functools.partial(
      pl.kernel,
      mesh=mesh,
      out_type=jax.ShapeDtypeStruct((B, D), jnp.float32),
      compiler_params=pltpu.CompilerParams(use_tc_tiling_on_sc=False),
      scratch_types=[
          pltpu.VMEM((S, b_per_w), jnp.int32),
          pltpu.VMEM((b_per_w, D), jnp.float32),
          pltpu.VMEM((b_per_w, D), jnp.float32),
          pltpu.VMEM((b_per_w,), jnp.int32),
          pltpu.VMEM_SHARED((NS * b_per_w, D), jnp.float32),
          pltpu.SemaphoreType.DMA,
          pltpu.SemaphoreType.DMA,
      ],
  )
  def lookup_mean(table_hbm, idx_hbm, out_hbm, idx_v, rows0, rows1,
                  ramp_v, acc_sh, sem0, sem1):
    cid = lax.axis_index("c")
    sid = lax.axis_index("s")
    wid = cid * NS + sid
    base_local = sid * b_per_w
    base_glob = wid * b_per_w

    pltpu.sync_copy(idx_hbm.at[:, pl.ds(base_glob, b_per_w)], idx_v)

    def remap_body(s, carry):
      for c in range(b_per_w // L):
        v = idx_v[s, pl.ds(c * L, L)]
        r = (lax.bitwise_and(v, ~(2 * _TC_BLK - 1))
             + lax.shift_left(lax.bitwise_and(v, _TC_BLK - 1), 1)
             + lax.bitwise_and(lax.shift_right_logical(v, _TC_SHIFT), 1))
        idx_v[s, pl.ds(c * L, L)] = r
      return carry

    lax.fori_loop(0, S, remap_body, 0)

    for i in range(b_per_w // L):
      ramp_v[pl.ds(i * L, L)] = (
          lax.iota(jnp.int32, L) + (base_local + i * L))

    bufs = (rows0, rows1)
    sems = (sem0, sem1)

    def start(s, p):
      pltpu.async_copy(table_hbm.at[idx_v.at[s]], bufs[p], sems[p])

    def wait(p):
      pltpu.make_async_copy(
          table_hbm.at[idx_v.at[0]], bufs[p], sems[p]).wait()

    start(0, 0)
    start(1, 1)
    wait(0)
    pltpu.sync_copy(rows0, acc_sh.at[ramp_v])
    wait(1)
    pltpu.sync_copy(rows1, acc_sh.at[ramp_v], add=True)

    def body(k, carry):
      s = 2 * k
      for p in range(2):
        start(s + p, p)
      for p in range(2):
        wait(p)
        pltpu.sync_copy(bufs[p], acc_sh.at[ramp_v], add=True)
      return carry

    lax.fori_loop(1, S // 2, body, 0)

    pltpu.sync_copy(acc_sh.at[pl.ds(base_local, b_per_w)], rows0)
    inv = jnp.float32(1.0 / S)

    def scale_body(b, carry):
      for c in range(D // L):
        rows0[b, pl.ds(c * L, L)] = rows0[b, pl.ds(c * L, L)] * inv
      return carry

    lax.fori_loop(0, b_per_w, scale_body, 0)
    pltpu.sync_copy(rows0, out_hbm.at[pl.ds(base_glob, b_per_w)])

  return lookup_mean


def kernel(embedding_weight, input_seqs):
  V, D = embedding_weight.shape
  S, B = input_seqs.shape
  idx = input_seqs.astype(jnp.int32)
  tabT = embedding_weight.T
  ntail = V - (V // (2 * _TC_BLK)) * 2 * _TC_BLK
  tail = jnp.pad(embedding_weight[V - ntail:, :],
                 ((0, _TC_BLK - ntail), (0, 0))).T
  pairs = _make_relayout(V, D)(tabT, tabT, tail)
  VR = pairs.shape[0] * 2
  table_lin = pairs.reshape(VR, D)
  return _make_lookup_mean(VR, D, S, B)(table_lin, idx)

# --- scband reference (transcript-rebuilt; emitter-appended) ---
"""Pipeline reference for scband-encoder-avg-emb-8426725835180 (READ-ONLY COPY).

The authoritative reference and input builder live on the scoring server;
editing this copy changes nothing except your own understanding.
"""

import jax, jax.numpy as jnp
import numpy as np

VOCAB = 1000000
EMBED_DIM = 64
SEQ_LEN = 200
BATCH = 4096


def setup_inputs(seed: int = 0) -> dict:
    key = jax.random.key(seed)
    k_tab, k_idx = jax.random.split(key)
    # pretrained embedding table, sized per init_kwargs [vocab, embed_dim]
    embedding_weight = jax.random.normal(k_tab, (VOCAB, EMBED_DIM), dtype=jnp.float32)
    input_seqs = jax.random.randint(k_idx, (SEQ_LEN, BATCH), 0, VOCAB, dtype=jnp.int64)
    return {"embedding_weight": embedding_weight, "input_seqs": input_seqs}


def reference(embedding_weight, input_seqs):
    # embedded = self.embedding(input_seqs) -> gather rows of table
    embedded = jnp.take(embedding_weight, input_seqs, axis=0)  # [S, B, D]
    # output = torch.mean(embedded, dim=0)
    output = jnp.mean(embedded, axis=0)  # [B, D]
    return output

if __name__ == "__main__":
    import jax
    _d = setup_inputs()
    print(jax.jit(kernel)(*tuple(_d.values())))

</pallas_src>

<mosaic_0001>
#map = affine_map<(d0, d1) -> (0, 0)>
module attributes {stable_mosaic.version = 14 : i64} {
  func.func @lookup_mean(%arg0: i32, %arg1: i32, %arg2: memref<1015808x64xf32, #tpu.memory_space<hbm>>, %arg3: memref<200x4096xi32, #tpu.memory_space<hbm>>, %arg4: memref<4096x64xf32, #tpu.memory_space<hbm>>, %arg5: memref<200x128xi32, #tpu.memory_space<vmem>>, %arg6: memref<128x64xf32, #tpu.memory_space<vmem>>, %arg7: memref<128x64xf32, #tpu.memory_space<vmem>>, %arg8: memref<128xi32, #tpu.memory_space<vmem>>, %arg9: memref<2048x64xf32, #tpu.memory_space<vmem_shared>>, %arg10: memref<!tpu.dma_semaphore, #tpu.memory_space<semaphore_mem>>, %arg11: memref<!tpu.dma_semaphore, #tpu.memory_space<semaphore_mem>>) attributes {dimension_semantics = [#tpu.dimension_semantics<core_parallel>, #tpu.dimension_semantics<subcore_parallel>], iteration_bounds = array<i64: 2, 16>, scalar_prefetch = 0 : i64, scratch_operands = 7 : i64, tpu.core_type = #tpu.core_type<sc_vector_subcore>, window_params = [{transform_indices = #map}, {transform_indices = #map}, {transform_indices = #map}]} {
    %mul3A = arith.constant 16 : i32
    %mul3A_0 = arith.muli %arg0, %mul3A : i32
    %add3A = arith.addi %mul3A_0, %arg1 : i32
    %mul3A_1 = arith.constant 128 : i32
    %mul3A_2 = arith.muli %arg1, %mul3A_1 : i32
    %mul3A_3 = arith.constant 128 : i32
    %mul3A_4 = arith.muli %add3A, %mul3A_3 : i32
    "tpu.region"() ({
      %run_scoped3A = tpu.sem_alloc : memref<!tpu.dma_semaphore, #tpu.memory_space<semaphore_mem>>
      %dma_start3A_119 = arith.constant 0 : i32
      %dma_start3A_120 = tpu.memref_slice %arg3[%dma_start3A_119, %mul3A_4] : memref<200x4096xi32, #tpu.memory_space<hbm>> -> memref<200x128xi32, #tpu.memory_space<hbm>>
      %dma_start3A_121 = arith.constant 0 : i32
      %dma_start3A_122 = tpu.memref_slice %arg3[%dma_start3A_121, %mul3A_4] : memref<200x4096xi32, #tpu.memory_space<hbm>> -> memref<200x128xi32, #tpu.memory_space<hbm>>
      tpu.enqueue_dma source(%dma_start3A_122 : memref<200x128xi32, #tpu.memory_space<hbm>>) target(%arg5 : memref<200x128xi32, #tpu.memory_space<vmem>>) target_semaphore(%run_scoped3A : memref<!tpu.dma_semaphore, #tpu.memory_space<semaphore_mem>>)
      %dma_wait3A_123 = arith.constant 0 : i32
      %dma_wait3A_124 = tpu.memref_slice %arg3[%dma_wait3A_123, %mul3A_4] : memref<200x4096xi32, #tpu.memory_space<hbm>> -> memref<200x128xi32, #tpu.memory_space<hbm>>
      %dma_wait3A_125 = arith.constant 0 : i32
      %dma_wait3A_126 = tpu.memref_slice %arg3[%dma_wait3A_125, %mul3A_4] : memref<200x4096xi32, #tpu.memory_space<hbm>> -> memref<200x128xi32, #tpu.memory_space<hbm>>
      tpu.wait_dma2 semaphore(%run_scoped3A : memref<!tpu.dma_semaphore, #tpu.memory_space<semaphore_mem>>) src(%dma_wait3A_126 : memref<200x128xi32, #tpu.memory_space<hbm>>) dst(%arg5 : memref<200x128xi32, #tpu.memory_space<vmem>>)
      tpu.yield
    }) : () -> ()
    %scan3A = arith.constant 0 : i32
    %scan3A_5 = arith.constant 0 : i32
    %scan3A_6 = arith.constant 200 : i32
    %scan3A_7 = arith.addi %scan3A_5, %scan3A_6 : i32
    %scan3A_8 = arith.constant 1 : i32
    scf.for %scan3A_119 = %scan3A_5 to %scan3A_7 step %scan3A_8  : i32 {
      %get3A = arith.index_cast %scan3A_119 : i32 to index
      %get3A_120 = arith.constant 0 : index
      %get3A_121 = tpu.vector_load %arg5[%get3A, %get3A_120] {strides = array<i32>} : memref<200x128xi32, #tpu.memory_space<vmem>>, vector<1x16xi32>,
      %get3A_122 = vector.shape_cast %get3A_121 : vector<1x16xi32> to vector<16xi32>
      %and3A = arith.constant -16384 : i32
      %and3A_123 = vector.broadcast %and3A : i32 to vector<16xi32>
      %and3A_124 = arith.andi %get3A_122, %and3A_123 : vector<16xi32>
      %and3A_125 = arith.constant 8191 : i32
      %and3A_126 = vector.broadcast %and3A_125 : i32 to vector<16xi32>
      %and3A_127 = arith.andi %get3A_122, %and3A_126 : vector<16xi32>
      %shift_left3A = arith.constant 1 : i32
      %shift_left3A_128 = vector.broadcast %shift_left3A : i32 to vector<16xi32>
      %shift_left3A_129 = arith.shli %and3A_127, %shift_left3A_128 : vector<16xi32>
      %add3A_130 = arith.addi %and3A_124, %shift_left3A_129 : vector<16xi32>
      %shift_right_logical3A = arith.constant 13 : i32
      %shift_right_logical3A_131 = vector.broadcast %shift_right_logical3A : i32 to vector<16xi32>
      %shift_right_logical3A_132 = arith.shrui %get3A_122, %shift_right_logical3A_131 : vector<16xi32>
      %and3A_133 = arith.constant 1 : i32
      %and3A_134 = vector.broadcast %and3A_133 : i32 to vector<16xi32>
      %and3A_135 = arith.andi %shift_right_logical3A_132, %and3A_134 : vector<16xi32>
      %add3A_136 = arith.addi %add3A_130, %and3A_135 : vector<16xi32>
      %swap3A_137 = arith.index_cast %scan3A_119 : i32 to index
      %swap3A_138 = arith.constant 0 : index
      %swap3A_139 = tpu.vector_load %arg5[%swap3A_137, %swap3A_138] {strides = array<i32>} : memref<200x128xi32, #tpu.memory_space<vmem>>, vector<1x16xi32>,
      %swap3A_140 = vector.shape_cast %swap3A_139 : vector<1x16xi32> to vector<16xi32>
      %swap3A_141 = vector.shape_cast %add3A_136 : vector<16xi32> to vector<1x16xi32>
      tpu.vector_store %arg5[%swap3A_137, %swap3A_138], %swap3A_141 {strides = array<i32>} : memref<200x128xi32, #tpu.memory_space<vmem>>, vector<1x16xi32>,
      %get3A_142 = arith.index_cast %scan3A_119 : i32 to index
      %get3A_143 = arith.constant 16 : index
      %get3A_144 = tpu.vector_load %arg5[%get3A_142, %get3A_143] {strides = array<i32>} : memref<200x128xi32, #tpu.memory_space<vmem>>, vector<1x16xi32>,
      %get3A_145 = vector.shape_cast %get3A_144 : vector<1x16xi32> to vector<16xi32>
      %and3A_146 = arith.constant -16384 : i32
      %and3A_147 = vector.broadcast %and3A_146 : i32 to vector<16xi32>
      %and3A_148 = arith.andi %get3A_145, %and3A_147 : vector<16xi32>
      %and3A_149 = arith.constant 8191 : i32
      %and3A_150 = vector.broadcast %and3A_149 : i32 to vector<16xi32>
      %and3A_151 = arith.andi %get3A_145, %and3A_150 : vector<16xi32>
      %shift_left3A_152 = arith.constant 1 : i32
      %shift_left3A_153 = vector.broadcast %shift_left3A_152 : i32 to vector<16xi32>
      %shift_left3A_154 = arith.shli %and3A_151, %shift_left3A_153 : vector<16xi32>
      %add3A_155 = arith.addi %and3A_148, %shift_left3A_154 : vector<16xi32>
      %shift_right_logical3A_156 = arith.constant 13 : i32
      %shift_right_logical3A_157 = vector.broadcast %shift_right_logical3A_156 : i32 to vector<16xi32>
      %shift_right_logical3A_158 = arith.shrui %get3A_145, %shift_right_logical3A_157 : vector<16xi32>
      %and3A_159 = arith.constant 1 : i32
      %and3A_160 = vector.broadcast %and3A_159 : i32 to vector<16xi32>
      %and3A_161 = arith.andi %shift_right_logical3A_158, %and3A_160 : vector<16xi32>
      %add3A_162 = arith.addi %add3A_155, %and3A_161 : vector<16xi32>
      %swap3A_163 = arith.index_cast %scan3A_119 : i32 to index
      %swap3A_164 = arith.constant 16 : index
      %swap3A_165 = tpu.vector_load %arg5[%swap3A_163, %swap3A_164] {strides = array<i32>} : memref<200x128xi32, #tpu.memory_space<vmem>>, vector<1x16xi32>,
      %swap3A_166 = vector.shape_cast %swap3A_165 : vector<1x16xi32> to vector<16xi32>
      %swap3A_167 = vector.shape_cast %add3A_162 : vector<16xi32> to vector<1x16xi32>
      tpu.vector_store %arg5[%swap3A_163, %swap3A_164], %swap3A_167 {strides = array<i32>} : memref<200x128xi32, #tpu.memory_space<vmem>>, vector<1x16xi32>,
      %get3A_168 = arith.index_cast %scan3A_119 : i32 to index
      %get3A_169 = arith.constant 32 : index
      %get3A_170 = tpu.vector_load %arg5[%get3A_168, %get3A_169] {strides = array<i32>} : memref<200x128xi32, #tpu.memory_space<vmem>>, vector<1x16xi32>,
      %get3A_171 = vector.shape_cast %get3A_170 : vector<1x16xi32> to vector<16xi32>
      %and3A_172 = arith.constant -16384 : i32
      %and3A_173 = vector.broadcast %and3A_172 : i32 to vector<16xi32>
      %and3A_174 = arith.andi %get3A_171, %and3A_173 : vector<16xi32>
      %and3A_175 = arith.constant 8191 : i32
      %and3A_176 = vector.broadcast %and3A_175 : i32 to vector<16xi32>
      %and3A_177 = arith.andi %get3A_171, %and3A_176 : vector<16xi32>
      %shift_left3A_178 = arith.constant 1 : i32
      %shift_left3A_179 = vector.broadcast %shift_left3A_178 : i32 to vector<16xi32>
      %shift_left3A_180 = arith.shli %and3A_177, %shift_left3A_179 : vector<16xi32>
      %add3A_181 = arith.addi %and3A_174, %shift_left3A_180 : vector<16xi32>
      %shift_right_logical3A_182 = arith.constant 13 : i32
      %shift_right_logical3A_183 = vector.broadcast %shift_right_logical3A_182 : i32 to vector<16xi32>
      %shift_right_logical3A_184 = arith.shrui %get3A_171, %shift_right_logical3A_183 : vector<16xi32>
      %and3A_185 = arith.constant 1 : i32
      %and3A_186 = vector.broadcast %and3A_185 : i32 to vector<16xi32>
      %and3A_187 = arith.andi %shift_right_logical3A_184, %and3A_186 : vector<16xi32>
      %add3A_188 = arith.addi %add3A_181, %and3A_187 : vector<16xi32>
      %swap3A_189 = arith.index_cast %scan3A_119 : i32 to index
      %swap3A_190 = arith.constant 32 : index
      %swap3A_191 = tpu.vector_load %arg5[%swap3A_189, %swap3A_190] {strides = array<i32>} : memref<200x128xi32, #tpu.memory_space<vmem>>, vector<1x16xi32>,
      %swap3A_192 = vector.shape_cast %swap3A_191 : vector<1x16xi32> to vector<16xi32>
      %swap3A_193 = vector.shape_cast %add3A_188 : vector<16xi32> to vector<1x16xi32>
      tpu.vector_store %arg5[%swap3A_189, %swap3A_190], %swap3A_193 {strides = array<i32>} : memref<200x128xi32, #tpu.memory_space<vmem>>, vector<1x16xi32>,
      %get3A_194 = arith.index_cast %scan3A_119 : i32 to index
      %get3A_195 = arith.constant 48 : index
      %get3A_196 = tpu.vector_load %arg5[%get3A_194, %get3A_195] {strides = array<i32>} : memref<200x128xi32, #tpu.memory_space<vmem>>, vector<1x16xi32>,
      %get3A_197 = vector.shape_cast %get3A_196 : vector<1x16xi32> to vector<16xi32>
      %and3A_198 = arith.constant -16384 : i32
      %and3A_199 = vector.broadcast %and3A_198 : i32 to vector<16xi32>
      %and3A_200 = arith.andi %get3A_197, %and3A_199 : vector<16xi32>
      %and3A_201 = arith.constant 8191 : i32
      %and3A_202 = vector.broadcast %and3A_201 : i32 to vector<16xi32>
      %and3A_203 = arith.andi %get3A_197, %and3A_202 : vector<16xi32>
      %shift_left3A_204 = arith.constant 1 : i32
      %shift_left3A_205 = vector.broadcast %shift_left3A_204 : i32 to vector<16xi32>
      %shift_left3A_206 = arith.shli %and3A_203, %shift_left3A_205 : vector<16xi32>
      %add3A_207 = arith.addi %and3A_200, %shift_left3A_206 : vector<16xi32>
      %shift_right_logical3A_208 = arith.constant 13 : i32
      %shift_right_logical3A_209 = vector.broadcast %shift_right_logical3A_208 : i32 to vector<16xi32>
      %shift_right_logical3A_210 = arith.shrui %get3A_197, %shift_right_logical3A_209 : vector<16xi32>
      %and3A_211 = arith.constant 1 : i32
      %and3A_212 = vector.broadcast %and3A_211 : i32 to vector<16xi32>
      %and3A_213 = arith.andi %shift_right_logical3A_210, %and3A_212 : vector<16xi32>
      %add3A_214 = arith.addi %add3A_207, %and3A_213 : vector<16xi32>
      %swap3A_215 = arith.index_cast %scan3A_119 : i32 to index
      %swap3A_216 = arith.constant 48 : index
      %swap3A_217 = tpu.vector_load %arg5[%swap3A_215, %swap3A_216] {strides = array<i32>} : memref<200x128xi32, #tpu.memory_space<vmem>>, vector<1x16xi32>,
      %swap3A_218 = vector.shape_cast %swap3A_217 : vector<1x16xi32> to vector<16xi32>
      %swap3A_219 = vector.shape_cast %add3A_214 : vector<16xi32> to vector<1x16xi32>
      tpu.vector_store %arg5[%swap3A_215, %swap3A_216], %swap3A_219 {strides = array<i32>} : memref<200x128xi32, #tpu.memory_space<vmem>>, vector<1x16xi32>,
      %get3A_220 = arith.index_cast %scan3A_119 : i32 to index
      %get3A_221 = arith.constant 64 : index
      %get3A_222 = tpu.vector_load %arg5[%get3A_220, %get3A_221] {strides = array<i32>} : memref<200x128xi32, #tpu.memory_space<vmem>>, vector<1x16xi32>,
      %get3A_223 = vector.shape_cast %get3A_222 : vector<1x16xi32> to vector<16xi32>
      %and3A_224 = arith.constant -16384 : i32
      %and3A_225 = vector.broadcast %and3A_224 : i32 to vector<16xi32>
      %and3A_226 = arith.andi %get3A_223, %and3A_225 : vector<16xi32>
      %and3A_227 = arith.constant 8191 : i32
      %and3A_228 = vector.broadcast %and3A_227 : i32 to vector<16xi32>
      %and3A_229 = arith.andi %get3A_223, %and3A_228 : vector<16xi32>
      %shift_left3A_230 = arith.constant 1 : i32
      %shift_left3A_231 = vector.broadcast %shift_left3A_230 : i32 to vector<16xi32>
      %shift_left3A_232 = arith.shli %and3A_229, %shift_left3A_231 : vector<16xi32>
      %add3A_233 = arith.addi %and3A_226, %shift_left3A_232 : vector<16xi32>
      %shift_right_logical3A_234 = arith.constant 13 : i32
      %shift_right_logical3A_235 = vector.broadcast %shift_right_logical3A_234 : i32 to vector<16xi32>
      %shift_right_logical3A_236 = arith.shrui %get3A_223, %shift_right_logical3A_235 : vector<16xi32>
      %and3A_237 = arith.constant 1 : i32
      %and3A_238 = vector.broadcast %and3A_237 : i32 to vector<16xi32>
      %and3A_239 = arith.andi %shift_right_logical3A_236, %and3A_238 : vector<16xi32>
      %add3A_240 = arith.addi %add3A_233, %and3A_239 : vector<16xi32>
      %swap3A_241 = arith.index_cast %scan3A_119 : i32 to index
      %swap3A_242 = arith.constant 64 : index
      %swap3A_243 = tpu.vector_load %arg5[%swap3A_241, %swap3A_242] {strides = array<i32>} : memref<200x128xi32, #tpu.memory_space<vmem>>, vector<1x16xi32>,
      %swap3A_244 = vector.shape_cast %swap3A_243 : vector<1x16xi32> to vector<16xi32>
      %swap3A_245 = vector.shape_cast %add3A_240 : vector<16xi32> to vector<1x16xi32>
      tpu.vector_store %arg5[%swap3A_241, %swap3A_242], %swap3A_245 {strides = array<i32>} : memref<200x128xi32, #tpu.memory_space<vmem>>, vector<1x16xi32>,
      %get3A_246 = arith.index_cast %scan3A_119 : i32 to index
      %get3A_247 = arith.constant 80 : index
      %get3A_248 = tpu.vector_load %arg5[%get3A_246, %get3A_247] {strides = array<i32>} : memref<200x128xi32, #tpu.memory_space<vmem>>, vector<1x16xi32>,
      %get3A_249 = vector.shape_cast %get3A_248 : vector<1x16xi32> to vector<16xi32>
      %and3A_250 = arith.constant -16384 : i32
      %and3A_251 = vector.broadcast %and3A_250 : i32 to vector<16xi32>
      %and3A_252 = arith.andi %get3A_249, %and3A_251 : vector<16xi32>
      %and3A_253 = arith.constant 8191 : i32
      %and3A_254 = vector.broadcast %and3A_253 : i32 to vector<16xi32>
      %and3A_255 = arith.andi %get3A_249, %and3A_254 : vector<16xi32>
      %shift_left3A_256 = arith.constant 1 : i32
      %shift_left3A_257 = vector.broadcast %shift_left3A_256 : i32 to vector<16xi32>
      %shift_left3A_258 = arith.shli %and3A_255, %shift_left3A_257 : vector<16xi32>
      %add3A_259 = arith.addi %and3A_252, %shift_left3A_258 : vector<16xi32>
      %shift_right_logical3A_260 = arith.constant 13 : i32
      %shift_right_logical3A_261 = vector.broadcast %shift_right_logical3A_260 : i32 to vector<16xi32>
      %shift_right_logical3A_262 = arith.shrui %get3A_249, %shift_right_logical3A_261 : vector<16xi32>
      %and3A_263 = arith.constant 1 : i32
      %and3A_264 = vector.broadcast %and3A_263 : i32 to vector<16xi32>
      %and3A_265 = arith.andi %shift_right_logical3A_262, %and3A_264 : vector<16xi32>
      %add3A_266 = arith.addi %add3A_259, %and3A_265 : vector<16xi32>
      %swap3A_267 = arith.index_cast %scan3A_119 : i32 to index
      %swap3A_268 = arith.constant 80 : index
      %swap3A_269 = tpu.vector_load %arg5[%swap3A_267, %swap3A_268] {strides = array<i32>} : memref<200x128xi32, #tpu.memory_space<vmem>>, vector<1x16xi32>,
      %swap3A_270 = vector.shape_cast %swap3A_269 : vector<1x16xi32> to vector<16xi32>
      %swap3A_271 = vector.shape_cast %add3A_266 : vector<16xi32> to vector<1x16xi32>
      tpu.vector_store %arg5[%swap3A_267, %swap3A_268], %swap3A_271 {strides = array<i32>} : memref<200x128xi32, #tpu.memory_space<vmem>>, vector<1x16xi32>,
      %get3A_272 = arith.index_cast %scan3A_119 : i32 to index
      %get3A_273 = arith.constant 96 : index
      %get3A_274 = tpu.vector_load %arg5[%get3A_272, %get3A_273] {strides = array<i32>} : memref<200x128xi32, #tpu.memory_space<vmem>>, vector<1x16xi32>,
      %get3A_275 = vector.shape_cast %get3A_274 : vector<1x16xi32> to vector<16xi32>
      %and3A_276 = arith.constant -16384 : i32
      %and3A_277 = vector.broadcast %and3A_276 : i32 to vector<16xi32>
      %and3A_278 = arith.andi %get3A_275, %and3A_277 : vector<16xi32>
      %and3A_279 = arith.constant 8191 : i32
      %and3A_280 = vector.broadcast %and3A_279 : i32 to vector<16xi32>
      %and3A_281 = arith.andi %get3A_275, %and3A_280 : vector<16xi32>
      %shift_left3A_282 = arith.constant 1 : i32
      %shift_left3A_283 = vector.broadcast %shift_left3A_282 : i32 to vector<16xi32>
      %shift_left3A_284 = arith.shli %and3A_281, %shift_left3A_283 : vector<16xi32>
      %add3A_285 = arith.addi %and3A_278, %shift_left3A_284 : vector<16xi32>
      %shift_right_logical3A_286 = arith.constant 13 : i32
      %shift_right_logical3A_287 = vector.broadcast %shift_right_logical3A_286 : i32 to vector<16xi32>
      %shift_right_logical3A_288 = arith.shrui %get3A_275, %shift_right_logical3A_287 : vector<16xi32>
      %and3A_289 = arith.constant 1 : i32
      %and3A_290 = vector.broadcast %and3A_289 : i32 to vector<16xi32>
      %and3A_291 = arith.andi %shift_right_logical3A_288, %and3A_290 : vector<16xi32>
      %add3A_292 = arith.addi %add3A_285, %and3A_291 : vector<16xi32>
      %swap3A_293 = arith.index_cast %scan3A_119 : i32 to index
      %swap3A_294 = arith.constant 96 : index
      %swap3A_295 = tpu.vector_load %arg5[%swap3A_293, %swap3A_294] {strides = array<i32>} : memref<200x128xi32, #tpu.memory_space<vmem>>, vector<1x16xi32>,
      %swap3A_296 = vector.shape_cast %swap3A_295 : vector<1x16xi32> to vector<16xi32>
      %swap3A_297 = vector.shape_cast %add3A_292 : vector<16xi32> to vector<1x16xi32>
      tpu.vector_store %arg5[%swap3A_293, %swap3A_294], %swap3A_297 {strides = array<i32>} : memref<200x128xi32, #tpu.memory_space<vmem>>, vector<1x16xi32>,
      %get3A_298 = arith.index_cast %scan3A_119 : i32 to index
      %get3A_299 = arith.constant 112 : index
      %get3A_300 = tpu.vector_load %arg5[%get3A_298, %get3A_299] {strides = array<i32>} : memref<200x128xi32, #tpu.memory_space<vmem>>, vector<1x16xi32>,
      %get3A_301 = vector.shape_cast %get3A_300 : vector<1x16xi32> to vector<16xi32>
      %and3A_302 = arith.constant -16384 : i32
      %and3A_303 = vector.broadcast %and3A_302 : i32 to vector<16xi32>
      %and3A_304 = arith.andi %get3A_301, %and3A_303 : vector<16xi32>
      %and3A_305 = arith.constant 8191 : i32
      %and3A_306 = vector.broadcast %and3A_305 : i32 to vector<16xi32>
      %and3A_307 = arith.andi %get3A_301, %and3A_306 : vector<16xi32>
      %shift_left3A_308 = arith.constant 1 : i32
      %shift_left3A_309 = vector.broadcast %shift_left3A_308 : i32 to vector<16xi32>
      %shift_left3A_310 = arith.shli %and3A_307, %shift_left3A_309 : vector<16xi32>
      %add3A_311 = arith.addi %and3A_304, %shift_left3A_310 : vector<16xi32>
      %shift_right_logical3A_312 = arith.constant 13 : i32
      %shift_right_logical3A_313 = vector.broadcast %shift_right_logical3A_312 : i32 to vector<16xi32>
      %shift_right_logical3A_314 = arith.shrui %get3A_301, %shift_right_logical3A_313 : vector<16xi32>
      %and3A_315 = arith.constant 1 : i32
      %and3A_316 = vector.broadcast %and3A_315 : i32 to vector<16xi32>
      %and3A_317 = arith.andi %shift_right_logical3A_314, %and3A_316 : vector<16xi32>
      %add3A_318 = arith.addi %add3A_311, %and3A_317 : vector<16xi32>
      %swap3A_319 = arith.index_cast %scan3A_119 : i32 to index
      %swap3A_320 = arith.constant 112 : index
      %swap3A_321 = tpu.vector_load %arg5[%swap3A_319, %swap3A_320] {strides = array<i32>} : memref<200x128xi32, #tpu.memory_space<vmem>>, vector<1x16xi32>,
      %swap3A_322 = vector.shape_cast %swap3A_321 : vector<1x16xi32> to vector<16xi32>
      %swap3A_323 = vector.shape_cast %add3A_318 : vector<16xi32> to vector<1x16xi32>
      tpu.vector_store %arg5[%swap3A_319, %swap3A_320], %swap3A_323 {strides = array<i32>} : memref<200x128xi32, #tpu.memory_space<vmem>>, vector<1x16xi32>,
    }
    %scan3A_9 = arith.constant 200 : i32
    %iota3A = tpu.iota {dimensions = array<i32: 0>} : vector<16xi32>
    %add3A_10 = arith.constant 0 : i32
    %add3A_11 = arith.addi %mul3A_2, %add3A_10 : i32
    %add3A_12 = vector.broadcast %add3A_11 : i32 to vector<16xi32>
    %add3A_13 = arith.addi %iota3A, %add3A_12 : vector<16xi32>
    %swap3A = arith.constant 0 : index
    %swap3A_14 = tpu.vector_load %arg8[%swap3A] {strides = array<i32>} : memref<128xi32, #tpu.memory_space<vmem>>, vector<16xi32>,
    %swap3A_15 = vector.shape_cast %swap3A_14 : vector<16xi32> to vector<16xi32>
    %swap3A_16 = vector.shape_cast %add3A_13 : vector<16xi32> to vector<16xi32>
    tpu.vector_store %arg8[%swap3A], %swap3A_16 {strides = array<i32>} : memref<128xi32, #tpu.memory_space<vmem>>, vector<16xi32>,
    %iota3A_17 = tpu.iota {dimensions = array<i32: 0>} : vector<16xi32>
    %add3A_18 = arith.constant 16 : i32
    %add3A_19 = arith.addi %mul3A_2, %add3A_18 : i32
    %add3A_20 = vector.broadcast %add3A_19 : i32 to vector<16xi32>
    %add3A_21 = arith.addi %iota3A_17, %add3A_20 : vector<16xi32>
    %swap3A_22 = arith.constant 16 : index
    %swap3A_23 = tpu.vector_load %arg8[%swap3A_22] {strides = array<i32>} : memref<128xi32, #tpu.memory_space<vmem>>, vector<16xi32>,
    %swap3A_24 = vector.shape_cast %swap3A_23 : vector<16xi32> to vector<16xi32>
    %swap3A_25 = vector.shape_cast %add3A_21 : vector<16xi32> to vector<16xi32>
    tpu.vector_store %arg8[%swap3A_22], %swap3A_25 {strides = array<i32>} : memref<128xi32, #tpu.memory_space<vmem>>, vector<16xi32>,
    %iota3A_26 = tpu.iota {dimensions = array<i32: 0>} : vector<16xi32>
    %add3A_27 = arith.constant 32 : i32
    %add3A_28 = arith.addi %mul3A_2, %add3A_27 : i32
    %add3A_29 = vector.broadcast %add3A_28 : i32 to vector<16xi32>
    %add3A_30 = arith.addi %iota3A_26, %add3A_29 : vector<16xi32>
    %swap3A_31 = arith.constant 32 : index
    %swap3A_32 = tpu.vector_load %arg8[%swap3A_31] {strides = array<i32>} : memref<128xi32, #tpu.memory_space<vmem>>, vector<16xi32>,
    %swap3A_33 = vector.shape_cast %swap3A_32 : vector<16xi32> to vector<16xi32>
    %swap3A_34 = vector.shape_cast %add3A_30 : vector<16xi32> to vector<16xi32>
    tpu.vector_store %arg8[%swap3A_31], %swap3A_34 {strides = array<i32>} : memref<128xi32, #tpu.memory_space<vmem>>, vector<16xi32>,
    %iota3A_35 = tpu.iota {dimensions = array<i32: 0>} : vector<16xi32>
    %add3A_36 = arith.constant 48 : i32
    %add3A_37 = arith.addi %mul3A_2, %add3A_36 : i32
    %add3A_38 = vector.broadcast %add3A_37 : i32 to vector<16xi32>
    %add3A_39 = arith.addi %iota3A_35, %add3A_38 : vector<16xi32>
    %swap3A_40 = arith.constant 48 : index
    %swap3A_41 = tpu.vector_load %arg8[%swap3A_40] {strides = array<i32>} : memref<128xi32, #tpu.memory_space<vmem>>, vector<16xi32>,
    %swap3A_42 = vector.shape_cast %swap3A_41 : vector<16xi32> to vector<16xi32>
    %swap3A_43 = vector.shape_cast %add3A_39 : vector<16xi32> to vector<16xi32>
    tpu.vector_store %arg8[%swap3A_40], %swap3A_43 {strides = array<i32>} : memref<128xi32, #tpu.memory_space<vmem>>, vector<16xi32>,
    %iota3A_44 = tpu.iota {dimensions = array<i32: 0>} : vector<16xi32>
    %add3A_45 = arith.constant 64 : i32
    %add3A_46 = arith.addi %mul3A_2, %add3A_45 : i32
    %add3A_47 = vector.broadcast %add3A_46 : i32 to vector<16xi32>
    %add3A_48 = arith.addi %iota3A_44, %add3A_47 : vector<16xi32>
    %swap3A_49 = arith.constant 64 : index
    %swap3A_50 = tpu.vector_load %arg8[%swap3A_49] {strides = array<i32>} : memref<128xi32, #tpu.memory_space<vmem>>, vector<16xi32>,
    %swap3A_51 = vector.shape_cast %swap3A_50 : vector<16xi32> to vector<16xi32>
    %swap3A_52 = vector.shape_cast %add3A_48 : vector<16xi32> to vector<16xi32>
    tpu.vector_store %arg8[%swap3A_49], %swap3A_52 {strides = array<i32>} : memref<128xi32, #tpu.memory_space<vmem>>, vector<16xi32>,
    %iota3A_53 = tpu.iota {dimensions = array<i32: 0>} : vector<16xi32>
    %add3A_54 = arith.constant 80 : i32
    %add3A_55 = arith.addi %mul3A_2, %add3A_54 : i32
    %add3A_56 = vector.broadcast %add3A_55 : i32 to vector<16xi32>
    %add3A_57 = arith.addi %iota3A_53, %add3A_56 : vector<16xi32>
    %swap3A_58 = arith.constant 80 : index
    %swap3A_59 = tpu.vector_load %arg8[%swap3A_58] {strides = array<i32>} : memref<128xi32, #tpu.memory_space<vmem>>, vector<16xi32>,
    %swap3A_60 = vector.shape_cast %swap3A_59 : vector<16xi32> to vector<16xi32>
    %swap3A_61 = vector.shape_cast %add3A_57 : vector<16xi32> to vector<16xi32>
    tpu.vector_store %arg8[%swap3A_58], %swap3A_61 {strides = array<i32>} : memref<128xi32, #tpu.memory_space<vmem>>, vector<16xi32>,
    %iota3A_62 = tpu.iota {dimensions = array<i32: 0>} : vector<16xi32>
    %add3A_63 = arith.constant 96 : i32
    %add3A_64 = arith.addi %mul3A_2, %add3A_63 : i32
    %add3A_65 = vector.broadcast %add3A_64 : i32 to vector<16xi32>
    %add3A_66 = arith.addi %iota3A_62, %add3A_65 : vector<16xi32>
    %swap3A_67 = arith.constant 96 : index
    %swap3A_68 = tpu.vector_load %arg8[%swap3A_67] {strides = array<i32>} : memref<128xi32, #tpu.memory_space<vmem>>, vector<16xi32>,
    %swap3A_69 = vector.shape_cast %swap3A_68 : vector<16xi32> to vector<16xi32>
    %swap3A_70 = vector.shape_cast %add3A_66 : vector<16xi32> to vector<16xi32>
    tpu.vector_store %arg8[%swap3A_67], %swap3A_70 {strides = array<i32>} : memref<128xi32, #tpu.memory_space<vmem>>, vector<16xi32>,
    %iota3A_71 = tpu.iota {dimensions = array<i32: 0>} : vector<16xi32>
    %add3A_72 = arith.constant 112 : i32
    %add3A_73 = arith.addi %mul3A_2, %add3A_72 : i32
    %add3A_74 = vector.broadcast %add3A_73 : i32 to vector<16xi32>
    %add3A_75 = arith.addi %iota3A_71, %add3A_74 : vector<16xi32>
    %swap3A_76 = arith.constant 112 : index
    %swap3A_77 = tpu.vector_load %arg8[%swap3A_76] {strides = array<i32>} : memref<128xi32, #tpu.memory_space<vmem>>, vector<16xi32>,
    %swap3A_78 = vector.shape_cast %swap3A_77 : vector<16xi32> to vector<16xi32>
    %swap3A_79 = vector.shape_cast %add3A_75 : vector<16xi32> to vector<16xi32>
    tpu.vector_store %arg8[%swap3A_76], %swap3A_79 {strides = array<i32>} : memref<128xi32, #tpu.memory_space<vmem>>, vector<16xi32>,
    %dma_start3A = arith.constant 0 : i32
    %dma_start3A_80 = arith.constant 0 : i32
    %dma_start3A_81 = tpu.memref_slice %arg5[%dma_start3A, %dma_start3A_80] : memref<200x128xi32, #tpu.memory_space<vmem>> -> memref<1x128xi32, #tpu.memory_space<vmem>>
    %dma_start3A_82 = tpu.memref_squeeze %dma_start3A_81 : memref<1x128xi32, #tpu.memory_space<vmem>> -> memref<128xi32, #tpu.memory_space<vmem>>
    %dma_start3A_83 = arith.constant 0 : i32
    %dma_start3A_84 = arith.constant 0 : i32
    %dma_start3A_85 = tpu.memref_slice %arg2[%dma_start3A_83, %dma_start3A_84] : memref<1015808x64xf32, #tpu.memory_space<hbm>> -> memref<1015808x64xf32, #tpu.memory_space<hbm>>
    tpu.enqueue_indirect_dma source(%dma_start3A_85 : memref<1015808x64xf32, #tpu.memory_space<hbm>>) target(%arg6 : memref<128x64xf32, #tpu.memory_space<vmem>>) offsets(%dma_start3A_82 : memref<128xi32, #tpu.memory_space<vmem>>) semaphore(%arg10 : memref<!tpu.dma_semaphore, #tpu.memory_space<semaphore_mem>>)
    %dma_start3A_86 = arith.constant 1 : i32
    %dma_start3A_87 = arith.constant 0 : i32
    %dma_start3A_88 = tpu.memref_slice %arg5[%dma_start3A_86, %dma_start3A_87] : memref<200x128xi32, #tpu.memory_space<vmem>> -> memref<1x128xi32, #tpu.memory_space<vmem>>
    %dma_start3A_89 = tpu.memref_squeeze %dma_start3A_88 : memref<1x128xi32, #tpu.memory_space<vmem>> -> memref<128xi32, #tpu.memory_space<vmem>>
    %dma_start3A_90 = arith.constant 0 : i32
    %dma_start3A_91 = arith.constant 0 : i32
    %dma_start3A_92 = tpu.memref_slice %arg2[%dma_start3A_90, %dma_start3A_91] : memref<1015808x64xf32, #tpu.memory_space<hbm>> -> memref<1015808x64xf32, #tpu.memory_space<hbm>>
    tpu.enqueue_indirect_dma source(%dma_start3A_92 : memref<1015808x64xf32, #tpu.memory_space<hbm>>) target(%arg7 : memref<128x64xf32, #tpu.memory_space<vmem>>) offsets(%dma_start3A_89 : memref<128xi32, #tpu.memory_space<vmem>>) semaphore(%arg11 : memref<!tpu.dma_semaphore, #tpu.memory_space<semaphore_mem>>)
    %dma_wait3A = arith.constant 0 : i32
    %dma_wait3A_93 = arith.constant 0 : i32
    %dma_wait3A_94 = tpu.memref_slice %arg5[%dma_wait3A, %dma_wait3A_93] : memref<200x128xi32, #tpu.memory_space<vmem>> -> memref<1x128xi32, #tpu.memory_space<vmem>>
    %dma_wait3A_95 = tpu.memref_squeeze %dma_wait3A_94 : memref<1x128xi32, #tpu.memory_space<vmem>> -> memref<128xi32, #tpu.memory_space<vmem>>
    %dma_wait3A_96 = arith.constant 0 : i32
    %dma_wait3A_97 = arith.constant 0 : i32
    %dma_wait3A_98 = tpu.memref_slice %arg2[%dma_wait3A_96, %dma_wait3A_97] : memref<1015808x64xf32, #tpu.memory_space<hbm>> -> memref<1015808x64xf32, #tpu.memory_space<hbm>>
    tpu.wait_indirect_dma semaphore(%arg10 : memref<!tpu.dma_semaphore, #tpu.memory_space<semaphore_mem>>) src(%dma_wait3A_98 : memref<1015808x64xf32, #tpu.memory_space<hbm>>) dst(%arg6 : memref<128x64xf32, #tpu.memory_space<vmem>>)
    "tpu.region"() ({
      %run_scoped3A = tpu.sem_alloc : memref<!tpu.dma_semaphore, #tpu.memory_space<semaphore_mem>>
      %dma_start3A_119 = arith.constant 0 : i32
      %dma_start3A_120 = arith.constant 0 : i32
      %dma_start3A_121 = tpu.memref_slice %arg9[%dma_start3A_119, %dma_start3A_120] : memref<2048x64xf32, #tpu.memory_space<vmem_shared>> -> memref<2048x64xf32, #tpu.memory_space<vmem_shared>>
      tpu.enqueue_indirect_dma source(%arg6 : memref<128x64xf32, #tpu.memory_space<vmem>>) target(%dma_start3A_121 : memref<2048x64xf32, #tpu.memory_space<vmem_shared>>) offsets(%arg8 : memref<128xi32, #tpu.memory_space<vmem>>) semaphore(%run_scoped3A : memref<!tpu.dma_semaphore, #tpu.memory_space<semaphore_mem>>)
      %dma_wait3A_122 = arith.constant 0 : i32
      %dma_wait3A_123 = arith.constant 0 : i32
      %dma_wait3A_124 = tpu.memref_slice %arg9[%dma_wait3A_122, %dma_wait3A_123] : memref<2048x64xf32, #tpu.memory_space<vmem_shared>> -> memref<2048x64xf32, #tpu.memory_space<vmem_shared>>
      tpu.wait_indirect_dma semaphore(%run_scoped3A : memref<!tpu.dma_semaphore, #tpu.memory_space<semaphore_mem>>) src(%arg6 : memref<128x64xf32, #tpu.memory_space<vmem>>) dst(%dma_wait3A_124 : memref<2048x64xf32, #tpu.memory_space<vmem_shared>>)
      tpu.yield
    }) : () -> ()
    %dma_wait3A_99 = arith.constant 0 : i32
    %dma_wait3A_100 = arith.constant 0 : i32
    %dma_wait3A_101 = tpu.memref_slice %arg5[%dma_wait3A_99, %dma_wait3A_100] : memref<200x128xi32, #tpu.memory_space<vmem>> -> memref<1x128xi32, #tpu.memory_space<vmem>>
    %dma_wait3A_102 = tpu.memref_squeeze %dma_wait3A_101 : memref<1x128xi32, #tpu.memory_space<vmem>> -> memref<128xi32, #tpu.memory_space<vmem>>
    %dma_wait3A_103 = arith.constant 0 : i32
    %dma_wait3A_104 = arith.constant 0 : i32
    %dma_wait3A_105 = tpu.memref_slice %arg2[%dma_wait3A_103, %dma_wait3A_104] : memref<1015808x64xf32, #tpu.memory_space<hbm>> -> memref<1015808x64xf32, #tpu.memory_space<hbm>>
    tpu.wait_indirect_dma semaphore(%arg11 : memref<!tpu.dma_semaphore, #tpu.memory_space<semaphore_mem>>) src(%dma_wait3A_105 : memref<1015808x64xf32, #tpu.memory_space<hbm>>) dst(%arg7 : memref<128x64xf32, #tpu.memory_space<vmem>>)
    "tpu.region"() ({
      %run_scoped3A = tpu.sem_alloc : memref<!tpu.dma_semaphore, #tpu.memory_space<semaphore_mem>>
      %dma_start3A_119 = arith.constant 0 : i32
      %dma_start3A_120 = arith.constant 0 : i32
      %dma_start3A_121 = tpu.memref_slice %arg9[%dma_start3A_119, %dma_start3A_120] : memref<2048x64xf32, #tpu.memory_space<vmem_shared>> -> memref<2048x64xf32, #tpu.memory_space<vmem_shared>>
      tpu.enqueue_indirect_dma source(%arg7 : memref<128x64xf32, #tpu.memory_space<vmem>>) target(%dma_start3A_121 : memref<2048x64xf32, #tpu.memory_space<vmem_shared>>) offsets(%arg8 : memref<128xi32, #tpu.memory_space<vmem>>) semaphore(%run_scoped3A : memref<!tpu.dma_semaphore, #tpu.memory_space<semaphore_mem>>) {add = true}
      %dma_wait3A_122 = arith.constant 0 : i32
      %dma_wait3A_123 = arith.constant 0 : i32
      %dma_wait3A_124 = tpu.memref_slice %arg9[%dma_wait3A_122, %dma_wait3A_123] : memref<2048x64xf32, #tpu.memory_space<vmem_shared>> -> memref<2048x64xf32, #tpu.memory_space<vmem_shared>>
      tpu.wait_indirect_dma semaphore(%run_scoped3A : memref<!tpu.dma_semaphore, #tpu.memory_space<semaphore_mem>>) src(%arg7 : memref<128x64xf32, #tpu.memory_space<vmem>>) dst(%dma_wait3A_124 : memref<2048x64xf32, #tpu.memory_space<vmem_shared>>)
      tpu.yield
    }) : () -> ()
    %scan3A_106 = arith.constant 0 : i32
    %scan3A_107 = arith.constant 1 : i32
    %scan3A_108 = arith.constant 99 : i32
    %scan3A_109 = arith.addi %scan3A_107, %scan3A_108 : i32
    %scan3A_110 = arith.constant 1 : i32
    scf.for %scan3A_119 = %scan3A_107 to %scan3A_109 step %scan3A_110  : i32 {
      %mul3A_120 = arith.constant 2 : i32
      %mul3A_121 = arith.muli %mul3A_120, %scan3A_119 : i32
      %add3A_122 = arith.constant 0 : i32
      %add3A_123 = arith.addi %mul3A_121, %add3A_122 : i32
      %dma_start3A_124 = arith.constant 0 : i32
      %dma_start3A_125 = tpu.memref_slice %arg5[%add3A_123, %dma_start3A_124] : memref<200x128xi32, #tpu.memory_space<vmem>> -> memref<1x128xi32, #tpu.memory_space<vmem>>
      %dma_start3A_126 = tpu.memref_squeeze %dma_start3A_125 : memref<1x128xi32, #tpu.memory_space<vmem>> -> memref<128xi32, #tpu.memory_space<vmem>>
      %dma_start3A_127 = arith.constant 0 : i32
      %dma_start3A_128 = arith.constant 0 : i32
      %dma_start3A_129 = tpu.memref_slice %arg2[%dma_start3A_127, %dma_start3A_128] : memref<1015808x64xf32, #tpu.memory_space<hbm>> -> memref<1015808x64xf32, #tpu.memory_space<hbm>>
      tpu.enqueue_indirect_dma source(%dma_start3A_129 : memref<1015808x64xf32, #tpu.memory_space<hbm>>) target(%arg6 : memref<128x64xf32, #tpu.memory_space<vmem>>) offsets(%dma_start3A_126 : memref<128xi32, #tpu.memory_space<vmem>>) semaphore(%arg10 : memref<!tpu.dma_semaphore, #tpu.memory_space<semaphore_mem>>)
      %add3A_130 = arith.constant 1 : i32
      %add3A_131 = arith.addi %mul3A_121, %add3A_130 : i32
      %dma_start3A_132 = arith.constant 0 : i32
      %dma_start3A_133 = tpu.memref_slice %arg5[%add3A_131, %dma_start3A_132] : memref<200x128xi32, #tpu.memory_space<vmem>> -> memref<1x128xi32, #tpu.memory_space<vmem>>
      %dma_start3A_134 = tpu.memref_squeeze %dma_start3A_133 : memref<1x128xi32, #tpu.memory_space<vmem>> -> memref<128xi32, #tpu.memory_space<vmem>>
      %dma_start3A_135 = arith.constant 0 : i32
      %dma_start3A_136 = arith.constant 0 : i32
      %dma_start3A_137 = tpu.memref_slice %arg2[%dma_start3A_135, %dma_start3A_136] : memref<1015808x64xf32, #tpu.memory_space<hbm>> -> memref<1015808x64xf32, #tpu.memory_space<hbm>>
      tpu.enqueue_indirect_dma source(%dma_start3A_137 : memref<1015808x64xf32, #tpu.memory_space<hbm>>) target(%arg7 : memref<128x64xf32, #tpu.memory_space<vmem>>) offsets(%dma_start3A_134 : memref<128xi32, #tpu.memory_space<vmem>>) semaphore(%arg11 : memref<!tpu.dma_semaphore, #tpu.memory_space<semaphore_mem>>)
      %dma_wait3A_138 = arith.constant 0 : i32
      %dma_wait3A_139 = arith.constant 0 : i32
      %dma_wait3A_140 = tpu.memref_slice %arg5[%dma_wait3A_138, %dma_wait3A_139] : memref<200x128xi32, #tpu.memory_space<vmem>> -> memref<1x128xi32, #tpu.memory_space<vmem>>
      %dma_wait3A_141 = tpu.memref_squeeze %dma_wait3A_140 : memref<1x128xi32, #tpu.memory_space<vmem>> -> memref<128xi32, #tpu.memory_space<vmem>>
      %dma_wait3A_142 = arith.constant 0 : i32
      %dma_wait3A_143 = arith.constant 0 : i32
      %dma_wait3A_144 = tpu.memref_slice %arg2[%dma_wait3A_142, %dma_wait3A_143] : memref<1015808x64xf32, #tpu.memory_space<hbm>> -> memref<1015808x64xf32, #tpu.memory_space<hbm>>
      tpu.wait_indirect_dma semaphore(%arg10 : memref<!tpu.dma_semaphore, #tpu.memory_space<semaphore_mem>>) src(%dma_wait3A_144 : memref<1015808x64xf32, #tpu.memory_space<hbm>>) dst(%arg6 : memref<128x64xf32, #tpu.memory_space<vmem>>)
      "tpu.region"() ({
        %run_scoped3A = tpu.sem_alloc : memref<!tpu.dma_semaphore, #tpu.memory_space<semaphore_mem>>
        %dma_start3A_152 = arith.constant 0 : i32
        %dma_start3A_153 = arith.constant 0 : i32
        %dma_start3A_154 = tpu.memref_slice %arg9[%dma_start3A_152, %dma_start3A_153] : memref<2048x64xf32, #tpu.memory_space<vmem_shared>> -> memref<2048x64xf32, #tpu.memory_space<vmem_shared>>
        tpu.enqueue_indirect_dma source(%arg6 : memref<128x64xf32, #tpu.memory_space<vmem>>) target(%dma_start3A_154 : memref<2048x64xf32, #tpu.memory_space<vmem_shared>>) offsets(%arg8 : memref<128xi32, #tpu.memory_space<vmem>>) semaphore(%run_scoped3A : memref<!tpu.dma_semaphore, #tpu.memory_space<semaphore_mem>>) {add = true}
        %dma_wait3A_155 = arith.constant 0 : i32
        %dma_wait3A_156 = arith.constant 0 : i32
        %dma_wait3A_157 = tpu.memref_slice %arg9[%dma_wait3A_155, %dma_wait3A_156] : memref<2048x64xf32, #tpu.memory_space<vmem_shared>> -> memref<2048x64xf32, #tpu.memory_space<vmem_shared>>
        tpu.wait_indirect_dma semaphore(%run_scoped3A : memref<!tpu.dma_semaphore, #tpu.memory_space<semaphore_mem>>) src(%arg6 : memref<128x64xf32, #tpu.memory_space<vmem>>) dst(%dma_wait3A_157 : memref<2048x64xf32, #tpu.memory_space<vmem_shared>>)
        tpu.yield
      }) : () -> ()
      %dma_wait3A_145 = arith.constant 0 : i32
      %dma_wait3A_146 = arith.constant 0 : i32
      %dma_wait3A_147 = tpu.memref_slice %arg5[%dma_wait3A_145, %dma_wait3A_146] : memref<200x128xi32, #tpu.memory_space<vmem>> -> memref<1x128xi32, #tpu.memory_space<vmem>>
      %dma_wait3A_148 = tpu.memref_squeeze %dma_wait3A_147 : memref<1x128xi32, #tpu.memory_space<vmem>> -> memref<128xi32, #tpu.memory_space<vmem>>
      %dma_wait3A_149 = arith.constant 0 : i32
      %dma_wait3A_150 = arith.constant 0 : i32
      %dma_wait3A_151 = tpu.memref_slice %arg2[%dma_wait3A_149, %dma_wait3A_150] : memref<1015808x64xf32, #tpu.memory_space<hbm>> -> memref<1015808x64xf32, #tpu.memory_space<hbm>>
      tpu.wait_indirect_dma semaphore(%arg11 : memref<!tpu.dma_semaphore, #tpu.memory_space<semaphore_mem>>) src(%dma_wait3A_151 : memref<1015808x64xf32, #tpu.memory_space<hbm>>) dst(%arg7 : memref<128x64xf32, #tpu.memory_space<vmem>>)
      "tpu.region"() ({
        %run_scoped3A = tpu.sem_alloc : memref<!tpu.dma_semaphore, #tpu.memory_space<semaphore_mem>>
        %dma_start3A_152 = arith.constant 0 : i32
        %dma_start3A_153 = arith.constant 0 : i32
        %dma_start3A_154 = tpu.memref_slice %arg9[%dma_start3A_152, %dma_start3A_153] : memref<2048x64xf32, #tpu.memory_space<vmem_shared>> -> memref<2048x64xf32, #tpu.memory_space<vmem_shared>>
        tpu.enqueue_indirect_dma source(%arg7 : memref<128x64xf32, #tpu.memory_space<vmem>>) target(%dma_start3A_154 : memref<2048x64xf32, #tpu.memory_space<vmem_shared>>) offsets(%arg8 : memref<128xi32, #tpu.memory_space<vmem>>) semaphore(%run_scoped3A : memref<!tpu.dma_semaphore, #tpu.memory_space<semaphore_mem>>) {add = true}
        %dma_wait3A_155 = arith.constant 0 : i32
        %dma_wait3A_156 = arith.constant 0 : i32
        %dma_wait3A_157 = tpu.memref_slice %arg9[%dma_wait3A_155, %dma_wait3A_156] : memref<2048x64xf32, #tpu.memory_space<vmem_shared>> -> memref<2048x64xf32, #tpu.memory_space<vmem_shared>>
        tpu.wait_indirect_dma semaphore(%run_scoped3A : memref<!tpu.dma_semaphore, #tpu.memory_space<semaphore_mem>>) src(%arg7 : memref<128x64xf32, #tpu.memory_space<vmem>>) dst(%dma_wait3A_157 : memref<2048x64xf32, #tpu.memory_space<vmem_shared>>)
        tpu.yield
      }) : () -> ()
    }
    %scan3A_111 = arith.constant 99 : i32
    "tpu.region"() ({
      %run_scoped3A = tpu.sem_alloc : memref<!tpu.dma_semaphore, #tpu.memory_space<semaphore_mem>>
      %dma_start3A_119 = arith.constant 0 : i32
      %dma_start3A_120 = tpu.memref_slice %arg9[%mul3A_2, %dma_start3A_119] : memref<2048x64xf32, #tpu.memory_space<vmem_shared>> -> memref<128x64xf32, #tpu.memory_space<vmem_shared>>
      %dma_start3A_121 = arith.constant 0 : i32
      %dma_start3A_122 = tpu.memref_slice %arg9[%mul3A_2, %dma_start3A_121] : memref<2048x64xf32, #tpu.memory_space<vmem_shared>> -> memref<128x64xf32, #tpu.memory_space<vmem_shared>>
      tpu.enqueue_dma source(%dma_start3A_122 : memref<128x64xf32, #tpu.memory_space<vmem_shared>>) target(%arg6 : memref<128x64xf32, #tpu.memory_space<vmem>>) target_semaphore(%run_scoped3A : memref<!tpu.dma_semaphore, #tpu.memory_space<semaphore_mem>>)
      %dma_wait3A_123 = arith.constant 0 : i32
      %dma_wait3A_124 = tpu.memref_slice %arg9[%mul3A_2, %dma_wait3A_123] : memref<2048x64xf32, #tpu.memory_space<vmem_shared>> -> memref<128x64xf32, #tpu.memory_space<vmem_shared>>
      %dma_wait3A_125 = arith.constant 0 : i32
      %dma_wait3A_126 = tpu.memref_slice %arg9[%mul3A_2, %dma_wait3A_125] : memref<2048x64xf32, #tpu.memory_space<vmem_shared>> -> memref<128x64xf32, #tpu.memory_space<vmem_shared>>
      tpu.wait_dma2 semaphore(%run_scoped3A : memref<!tpu.dma_semaphore, #tpu.memory_space<semaphore_mem>>) src(%dma_wait3A_126 : memref<128x64xf32, #tpu.memory_space<vmem_shared>>) dst(%arg6 : memref<128x64xf32, #tpu.memory_space<vmem>>)
      tpu.yield
    }) : () -> ()
    %scan3A_112 = arith.constant 0 : i32
    %scan3A_113 = arith.constant 5.000000e-03 : f32
    %scan3A_114 = arith.constant 0 : i32
    %scan3A_115 = arith.constant 128 : i32
    %scan3A_116 = arith.addi %scan3A_114, %scan3A_115 : i32
    %scan3A_117 = arith.constant 1 : i32
    scf.for %scan3A_119 = %scan3A_114 to %scan3A_116 step %scan3A_117  : i32 {
      %get3A = arith.index_cast %scan3A_119 : i32 to index
      %get3A_120 = arith.constant 0 : index
      %get3A_121 = tpu.vector_load %arg6[%get3A, %get3A_120] {strides = array<i32>} : memref<128x64xf32, #tpu.memory_space<vmem>>, vector<1x16xf32>,
      %get3A_122 = vector.shape_cast %get3A_121 : vector<1x16xf32> to vector<16xf32>
      %mul3A_123 = vector.broadcast %scan3A_113 : f32 to vector<16xf32>
      %mul3A_124 = arith.mulf %get3A_122, %mul3A_123 : vector<16xf32>
      %swap3A_125 = arith.index_cast %scan3A_119 : i32 to index
      %swap3A_126 = arith.constant 0 : index
      %swap3A_127 = tpu.vector_load %arg6[%swap3A_125, %swap3A_126] {strides = array<i32>} : memref<128x64xf32, #tpu.memory_space<vmem>>, vector<1x16xf32>,
      %swap3A_128 = vector.shape_cast %swap3A_127 : vector<1x16xf32> to vector<16xf32>
      %swap3A_129 = vector.shape_cast %mul3A_124 : vector<16xf32> to vector<1x16xf32>
      tpu.vector_store %arg6[%swap3A_125, %swap3A_126], %swap3A_129 {strides = array<i32>} : memref<128x64xf32, #tpu.memory_space<vmem>>, vector<1x16xf32>,
      %get3A_130 = arith.index_cast %scan3A_119 : i32 to index
      %get3A_131 = arith.constant 16 : index
      %get3A_132 = tpu.vector_load %arg6[%get3A_130, %get3A_131] {strides = array<i32>} : memref<128x64xf32, #tpu.memory_space<vmem>>, vector<1x16xf32>,
      %get3A_133 = vector.shape_cast %get3A_132 : vector<1x16xf32> to vector<16xf32>
      %mul3A_134 = vector.broadcast %scan3A_113 : f32 to vector<16xf32>
      %mul3A_135 = arith.mulf %get3A_133, %mul3A_134 : vector<16xf32>
      %swap3A_136 = arith.index_cast %scan3A_119 : i32 to index
      %swap3A_137 = arith.constant 16 : index
      %swap3A_138 = tpu.vector_load %arg6[%swap3A_136, %swap3A_137] {strides = array<i32>} : memref<128x64xf32, #tpu.memory_space<vmem>>, vector<1x16xf32>,
      %swap3A_139 = vector.shape_cast %swap3A_138 : vector<1x16xf32> to vector<16xf32>
      %swap3A_140 = vector.shape_cast %mul3A_135 : vector<16xf32> to vector<1x16xf32>
      tpu.vector_store %arg6[%swap3A_136, %swap3A_137], %swap3A_140 {strides = array<i32>} : memref<128x64xf32, #tpu.memory_space<vmem>>, vector<1x16xf32>,
      %get3A_141 = arith.index_cast %scan3A_119 : i32 to index
      %get3A_142 = arith.constant 32 : index
      %get3A_143 = tpu.vector_load %arg6[%get3A_141, %get3A_142] {strides = array<i32>} : memref<128x64xf32, #tpu.memory_space<vmem>>, vector<1x16xf32>,
      %get3A_144 = vector.shape_cast %get3A_143 : vector<1x16xf32> to vector<16xf32>
      %mul3A_145 = vector.broadcast %scan3A_113 : f32 to vector<16xf32>
      %mul3A_146 = arith.mulf %get3A_144, %mul3A_145 : vector<16xf32>
      %swap3A_147 = arith.index_cast %scan3A_119 : i32 to index
      %swap3A_148 = arith.constant 32 : index
      %swap3A_149 = tpu.vector_load %arg6[%swap3A_147, %swap3A_148] {strides = array<i32>} : memref<128x64xf32, #tpu.memory_space<vmem>>, vector<1x16xf32>,
      %swap3A_150 = vector.shape_cast %swap3A_149 : vector<1x16xf32> to vector<16xf32>
      %swap3A_151 = vector.shape_cast %mul3A_146 : vector<16xf32> to vector<1x16xf32>
      tpu.vector_store %arg6[%swap3A_147, %swap3A_148], %swap3A_151 {strides = array<i32>} : memref<128x64xf32, #tpu.memory_space<vmem>>, vector<1x16xf32>,
      %get3A_152 = arith.index_cast %scan3A_119 : i32 to index
      %get3A_153 = arith.constant 48 : index
      %get3A_154 = tpu.vector_load %arg6[%get3A_152, %get3A_153] {strides = array<i32>} : memref<128x64xf32, #tpu.memory_space<vmem>>, vector<1x16xf32>,
      %get3A_155 = vector.shape_cast %get3A_154 : vector<1x16xf32> to vector<16xf32>
      %mul3A_156 = vector.broadcast %scan3A_113 : f32 to vector<16xf32>
      %mul3A_157 = arith.mulf %get3A_155, %mul3A_156 : vector<16xf32>
      %swap3A_158 = arith.index_cast %scan3A_119 : i32 to index
      %swap3A_159 = arith.constant 48 : index
      %swap3A_160 = tpu.vector_load %arg6[%swap3A_158, %swap3A_159] {strides = array<i32>} : memref<128x64xf32, #tpu.memory_space<vmem>>, vector<1x16xf32>,
      %swap3A_161 = vector.shape_cast %swap3A_160 : vector<1x16xf32> to vector<16xf32>
      %swap3A_162 = vector.shape_cast %mul3A_157 : vector<16xf32> to vector<1x16xf32>
      tpu.vector_store %arg6[%swap3A_158, %swap3A_159], %swap3A_162 {strides = array<i32>} : memref<128x64xf32, #tpu.memory_space<vmem>>, vector<1x16xf32>,
    }
    %scan3A_118 = arith.constant 128 : i32
    "tpu.region"() ({
      %run_scoped3A = tpu.sem_alloc : memref<!tpu.dma_semaphore, #tpu.memory_space<semaphore_mem>>
      %dma_start3A_119 = arith.constant 0 : i32
      %dma_start3A_120 = tpu.memref_slice %arg4[%mul3A_4, %dma_start3A_119] : memref<4096x64xf32, #tpu.memory_space<hbm>> -> memref<128x64xf32, #tpu.memory_space<hbm>>
      %dma_start3A_121 = arith.constant 0 : i32
      %dma_start3A_122 = tpu.memref_slice %arg4[%mul3A_4, %dma_start3A_121] : memref<4096x64xf32, #tpu.memory_space<hbm>> -> memref<128x64xf32, #tpu.memory_space<hbm>>
      tpu.enqueue_dma source(%arg6 : memref<128x64xf32, #tpu.memory_space<vmem>>) target(%dma_start3A_122 : memref<128x64xf32, #tpu.memory_space<hbm>>) target_semaphore(%run_scoped3A : memref<!tpu.dma_semaphore, #tpu.memory_space<semaphore_mem>>)
      %dma_wait3A_123 = arith.constant 0 : i32
      %dma_wait3A_124 = tpu.memref_slice %arg4[%mul3A_4, %dma_wait3A_123] : memref<4096x64xf32, #tpu.memory_space<hbm>> -> memref<128x64xf32, #tpu.memory_space<hbm>>
      %dma_wait3A_125 = arith.constant 0 : i32
      %dma_wait3A_126 = tpu.memref_slice %arg4[%mul3A_4, %dma_wait3A_125] : memref<4096x64xf32, #tpu.memory_space<hbm>> -> memref<128x64xf32, #tpu.memory_space<hbm>>
      tpu.wait_dma2 semaphore(%run_scoped3A : memref<!tpu.dma_semaphore, #tpu.memory_space<semaphore_mem>>) src(%arg6 : memref<128x64xf32, #tpu.memory_space<vmem>>) dst(%dma_wait3A_126 : memref<128x64xf32, #tpu.memory_space<hbm>>)
      tpu.yield
    }) : () -> ()
    return
  }
}

module attributes {stable_mosaic.version = 14 : i64} {
  func.func @relayout_block(%arg0: i32, %arg1: memref<64x8192xf32, #tpu.memory_space<vmem>>, %arg2: memref<64x8192xf32, #tpu.memory_space<vmem>>, %arg3: memref<64x8192xf32, #tpu.memory_space<vmem>>, %arg4: memref<8192x128xf32, #tpu.memory_space<vmem>>) attributes {dimension_semantics = [#tpu.dimension_semantics<arbitrary>], iteration_bounds = array<i64: 62>, scalar_prefetch = 0 : i64, scratch_operands = 0 : i64, tpu.core_type = #tpu.core_type<tc>, window_params = [{transform_indices = @transform_0, window_bounds = array<i64: 64, 8192>}, {transform_indices = @transform_1, window_bounds = array<i64: 64, 8192>}, {pipeline_mode = #tpu.pipeline_mode<synchronous>, transform_indices = @transform_2, window_bounds = array<i64: 64, 8192>}, {transform_indices = @transform_3, window_bounds = array<i64: 8192, 128>}]} {
    %lt3A = arith.constant 61 : i32
    %lt3A_0 = arith.cmpi slt, %arg0, %lt3A : i32
    %convert_element_type3A = arith.extui %lt3A_0 : i1 to i32
    %cond3A = arith.constant 0 : i32
    %cond3A_1 = arith.cmpi ne, %convert_element_type3A, %cond3A : i32
    scf.if %cond3A_1 {
      %get3A = arith.constant 0 : index
      %get3A_6 = arith.constant 0 : index
      %get3A_7 = vector.load %arg1[%get3A, %get3A_6] : memref<64x8192xf32, #tpu.memory_space<vmem>>, vector<64x8192xf32>
      %transpose3A = tpu.transpose %get3A_7, [1, 0] : vector<64x8192xf32> -> vector<8192x64xf32>
      %get3A_8 = arith.constant 0 : index
      %get3A_9 = arith.constant 0 : index
      %get3A_10 = vector.load %arg2[%get3A_8, %get3A_9] : memref<64x8192xf32, #tpu.memory_space<vmem>>, vector<64x8192xf32>
      %transpose3A_11 = tpu.transpose %get3A_10, [1, 0] : vector<64x8192xf32> -> vector<8192x64xf32>
      %concatenate3A = tpu.concatenate %transpose3A, %transpose3A_11 in 1 : vector<8192x64xf32>, vector<8192x64xf32> -> vector<8192x128xf32>
      %swap3A = arith.constant 0 : index
      %swap3A_12 = arith.constant 0 : index
      %swap3A_13 = vector.load %arg4[%swap3A, %swap3A_12] : memref<8192x128xf32, #tpu.memory_space<vmem>>, vector<8192x128xf32>
      tpu.vector_store %arg4[%swap3A, %swap3A_12], %concatenate3A {strides = array<i32>} : memref<8192x128xf32, #tpu.memory_space<vmem>>, vector<8192x128xf32>,
    } else {
    }
    %eq3A = arith.constant 61 : i32
    %eq3A_2 = arith.cmpi eq, %arg0, %eq3A : i32
    %convert_element_type3A_3 = arith.extui %eq3A_2 : i1 to i32
    %cond3A_4 = arith.constant 0 : i32
    %cond3A_5 = arith.cmpi ne, %convert_element_type3A_3, %cond3A_4 : i32
    scf.if %cond3A_5 {
      %get3A = arith.constant 0 : index
      %get3A_6 = arith.constant 0 : index
      %get3A_7 = vector.load %arg3[%get3A, %get3A_6] : memref<64x8192xf32, #tpu.memory_space<vmem>>, vector<64x8192xf32>
      %transpose3A = tpu.transpose %get3A_7, [1, 0] : vector<64x8192xf32> -> vector<8192x64xf32>
      %concatenate3A = tpu.concatenate %transpose3A, %transpose3A in 1 : vector<8192x64xf32>, vector<8192x64xf32> -> vector<8192x128xf32>
      %swap3A = arith.constant 0 : index
      %swap3A_8 = arith.constant 0 : index
      %swap3A_9 = vector.load %arg4[%swap3A, %swap3A_8] : memref<8192x128xf32, #tpu.memory_space<vmem>>, vector<8192x128xf32>
      tpu.vector_store %arg4[%swap3A, %swap3A_8], %concatenate3A {strides = array<i32>} : memref<8192x128xf32, #tpu.memory_space<vmem>>, vector<8192x128xf32>,
    } else {
    }
    return
  }
  func.func @transform_0(%arg0: i32) -> (i32, i32) {
    %mul3A = arith.constant 2 : i32
    %mul3A_0 = arith.muli %mul3A, %arg0 : i32
    %min3A = arith.constant 120 : i32
    %min3A_1 = arith.minsi %mul3A_0, %min3A : i32
    %c0_i32 = arith.constant 0 : i32
    %c0_i32_2 = arith.constant 0 : i32
    return %c0_i32, %min3A_1 : i32, i32
  }
  func.func @transform_1(%arg0: i32) -> (i32, i32) {
    %mul3A = arith.constant 2 : i32
    %mul3A_0 = arith.muli %mul3A, %arg0 : i32
    %add3A = arith.constant 1 : i32
    %add3A_1 = arith.addi %mul3A_0, %add3A : i32
    %min3A = arith.constant 121 : i32
    %min3A_2 = arith.minsi %add3A_1, %min3A : i32
    %c0_i32 = arith.constant 0 : i32
    %c0_i32_3 = arith.constant 0 : i32
    return %c0_i32, %min3A_2 : i32, i32
  }
  func.func @transform_2(%arg0: i32) -> (i32, i32) {
    %c0_i32 = arith.constant 0 : i32
    %c0_i32_0 = arith.constant 0 : i32
    %c0_i32_1 = arith.constant 0 : i32
    return %c0_i32, %c0_i32_0 : i32, i32
  }
  func.func @transform_3(%arg0: i32) -> (i32, i32) {
    %c0_i32 = arith.constant 0 : i32
    %c0_i32_0 = arith.constant 0 : i32
    return %arg0, %c0_i32 : i32, i32
  }
}

</mosaic_0001>

<sc_bundles>
// kernel: kernel.4.cloned.1.call-start
scs
__scs_entry_jumppad:
0x0: {  	(pc) =	sbr.rel $0x88, $3  }
0x1: {  	(tag) =	ssettag $0x0;
	lr =	simm.s32 $0x1  }
0x2: {  	[smem:$0x3F9F] =	sst lr;
	_ =	strace $0xD0000000  }
0x3: {  	_ = 	snop  }
0x4: {  	_ = 	snop  }
0x5: {  	_ = 	snop  }
0x6: {  	_ = 	snop  }
0x7: {  	_ = 	snop  }
__scs_overlays_trampoline_lowered:
0x8: {  	[smem:$0x3FAE] =	sst s0  }
0x9: {  	[smem:$0x3FAF] =	sst s1  }
0xa: {  	[smem:$0x3FB0] =	sst s2  }
0xb: {  	[smem:$0x3FB1] =	sst s3  }
0xc: {  	[smem:$0x3FB2] =	sst s4  }
0xd: {  	[smem:$0x3FB3] =	sst s5  }
0xe: {  	[smem:$0x3FB4] =	sst s6  }
0xf: {  	[smem:$0x3FB5] =	sst s7  }
0x10: {  	[smem:$0x3FB6] =	sst s8  }
0x11: {  	[smem:$0x3FB7] =	sst s9;
	s0 =	simm.s32 @!p0 $0x0  }
0x12: {  	s1 =	sld [smem:$0x3F9D];
	s0 =	simm.s32 @p0 $0x1  }
0x13: {  	[smem:$0x3FB8] =	sst s0;
	s0 =	simm.s32 @!p1 $0x0  }
0x14: {  	s2 =	sld [smem:$0x3F9C];
	s0 =	simm.s32 @p1 $0x1  }
0x15: {  	[smem:$0x3FB9] =	sst s0;
	s0 =	simm.s32 @!p2 $0x0  }
0x16: {  	s3 =	sld [smem:$0x3FDB];
	s0 =	simm.s32 @p2 $0x1  }
0x17: {  	s4 =	simm.s32 $0x1BF5;
	[smem:$0x3FBB] =	sst s0  }
0x18: {  	s0 =	sld [smem:$0x3F9E];
	_ =	swait.ge [sflag:s4], $0x0  }
0x19: {  	s7 =	sld [smem:$0x3F9F]  }
0x1a: {  	s8 =	sadd.s32 $0xFFFFE003, lr  }
0x1b: {  	s9 =	sadd.s32 $0xFFFFFEF7, lr;
	s5 =	simm.s32 $0xFFFFFFFF;
	p2 =	slt.u32 s8, $0xFFFFF086  }
0x1c: {  	p1 =	slt.u32 s9, $0xF7A;
	s5 =	simm.s32 @!p2 $0x0  }
0x1d: {  	s5 =	simm.s32 @p1 $0x1;
	p0 =	seq.s32 s7, s2  }
0x1e: {  	s7 =	smul.u32 @!p0 $0xF7A, s2;
	p2 =	seq.s32 @!p0 s5, $0x0  }
0x1f: {  	s9 =	smul.u32 $0xF7A, s1;
	s8 =	simm.s32 @!p0 $0x1BF5;
	p2 =	por !p2, p0  }
0x20: {  	[sflag:s8] =	ssyncset.s32 @!p0 $0xFFFFF086;
	s6 =	sadd.s32 @!p0 s3, s7;
	s7 =	simm.s32 @!p0 $0x108  }
0x21: {  	s3 =	sadd.s32 s3, s9;
	s6 =	sadd.s32 @!p0 $0x88, s6;
	s7 =	simm.s32 @p2 $0x1082  }
0x22: {  	[simem:s7], [sflag:s8] =	dma.local @!p0 [hbm:s6], $0xF7A  }
0x23: {  	s9 =	sor.u32 $0xD0000000, s2;
	s6 =	simm.s32 $0x108;
	_ =	swait.ge @!p0 [sflag:s8], $0x0  }
0x24: {  	s3 =	sadd.s32 $0x88, s3;
	s6 =	simm.s32 @!p1 $0x1082;
	[sflag:s4] =	ssyncset.s32 $0xFFFFF086  }
0x25: {  	[simem:s6], [sflag:s4] =	dma.local [hbm:s3], $0xF7A  }
0x26: {  	[smem:$0x3F9F] =	sst s1;
	(tag) =	ssettag s2;
	_ =	strace s9  }
0x27: {  	s1 =	sld [smem:$0x3FAF]  }
0x28: {  	s2 =	sld [smem:$0x3FB0]  }
0x29: {  	s4 =	sld [smem:$0x3FB2]  }
0x2a: {  	p0 =	seq.s32 s5, $0x0;
	s5 =	sld [smem:$0x3FB3]  }
0x2b: {  	s6 =	sld [smem:$0x3FB4]  }
0x2c: {  	s7 =	sld [smem:$0x3FB5]  }
0x2d: {  	s3 =	simm.s32 $0x108;
	s8 =	sld [smem:$0x3FB6]  }
0x2e: {  	s3 =	simm.s32 @!p0 $0x1082;
	s9 =	sld [smem:$0x3FB7]  }
0x2f: {  	lr =	sadd.s32 s0, s3;
	s0 =	sld [smem:$0x3FAE]  }
0x30: {  	s3 =	sld [smem:$0x3FB1]  }
0x31: {  	[smem:$0x3FBA] =	sst s10  }
0x32: {  	s10 =	sld [smem:$0x3FB8];
	_ =	sdelay $0x3  }
0x33: {  	p0 =	seq.s32 s10, $0x1;
	s10 =	sld [smem:$0x3FBA];
	_ =	sdelay $0x3  }
0x34: {  	[smem:$0x3FBA] =	sst s10  }
0x35: {  	s10 =	sld [smem:$0x3FB9];
	_ =	sdelay $0x3  }
0x36: {  	p1 =	seq.s32 s10, $0x1;
	s10 =	sld [smem:$0x3FBA];
	_ =	sdelay $0x3  }
0x37: {  	[smem:$0x3FBA] =	sst s10  }
0x38: {  	s10 =	sld [smem:$0x3FBB]  }
0x39: {  	_ = 	snop;
	(pc) =	sbr.ind lr, $3  }
0x3a: {  	_ = 	snop  }
0x3b: {  	_ = 	snop  }
0x3c: {  	p2 =	seq.s32 s10, $0x1;
	s10 =	sld [smem:$0x3FBA]  }
0x3d: {  	_ =	shalt  }
0x3e: {  	_ =	shalt  }
0x3f: {  	_ =	shalt  }
0x40: {  	_ =	shalt  }
0x41: {  	_ =	shalt  }
0x42: {  	_ =	shalt  }
0x43: {  	_ =	shalt  }
0x44: {  	_ =	shalt  }
0x45: {  	_ =	shalt  }
0x46: {  	_ =	shalt  }
0x47: {  	_ =	shalt  }
0x48: {  	_ =	shalt  }
0x49: {  	_ =	shalt  }
0x4a: {  	_ =	shalt  }
0x4b: {  	_ =	shalt  }
0x4c: {  	_ =	shalt  }
0x4d: {  	_ =	shalt  }
0x4e: {  	_ =	shalt  }
0x4f: {  	_ =	shalt  }
0x50: {  	_ =	shalt  }
0x51: {  	_ =	shalt  }
0x52: {  	_ =	shalt  }
0x53: {  	_ =	shalt  }
0x54: {  	_ =	shalt  }
0x55: {  	_ =	shalt  }
0x56: {  	_ =	shalt  }
0x57: {  	_ =	shalt  }
0x58: {  	_ =	shalt  }
0x59: {  	_ =	shalt  }
0x5a: {  	_ =	shalt  }
0x5b: {  	_ =	shalt  }
0x5c: {  	_ =	shalt  }
0x5d: {  	_ =	shalt  }
0x5e: {  	_ =	shalt  }
0x5f: {  	_ =	shalt  }
0x60: {  	_ =	shalt  }
0x61: {  	_ =	shalt  }
0x62: {  	_ =	shalt  }
0x63: {  	_ =	shalt  }
0x64: {  	_ =	shalt  }
0x65: {  	_ =	shalt  }
0x66: {  	_ =	shalt  }
0x67: {  	_ =	shalt  }
0x68: {  	_ =	shalt  }
0x69: {  	_ =	shalt  }
0x6a: {  	_ =	shalt  }
0x6b: {  	_ =	shalt  }
0x6c: {  	_ =	shalt  }
0x6d: {  	_ =	shalt  }
0x6e: {  	_ =	shalt  }
0x6f: {  	_ =	shalt  }
0x70: {  	_ =	shalt  }
0x71: {  	_ =	shalt  }
0x72: {  	_ =	shalt  }
0x73: {  	_ =	shalt  }
0x74: {  	_ =	shalt  }
0x75: {  	_ =	shalt  }
0x76: {  	_ =	shalt  }
0x77: {  	_ =	shalt  }
0x78: {  	_ =	shalt  }
0x79: {  	_ =	shalt  }
0x7a: {  	_ =	shalt  }
0x7b: {  	_ =	shalt  }
0x7c: {  	_ =	shalt  }
0x7d: {  	_ =	shalt  }
0x7e: {  	_ =	shalt  }
0x7f: {  	_ =	shalt  }
0x80: {  	_ =	shalt  }
0x81: {  	_ =	shalt  }
0x82: {  	_ =	shalt  }
0x83: {  	_ =	shalt  }
0x84: {  	_ =	shalt  }
0x85: {  	_ =	shalt  }
0x86: {  	_ =	shalt  }
0x87: {  	_ =	shalt  }
.Lfunc_end0:
.L_simem_size_0:
called_computation_lowered:
.L_overlay_start_0:
0x88: {  	s2 =	sld [smem:$0x3FD9]  }
0x89: {  	s3 =	sld [smem:$0x3FFE];
	_ =	sdelay $0x1  }
0x8a: {  	s1 =	srdreg.scid  }
0x8b: {  	s0 =	sand.u32 $0x1, s1  }
0x8c: {  	s17 =	sshll.u32 s0, $0xA;
	s2 =	sadd.s32 s3, s2  }
0x8d: {  	s2 =	sadd.s32 s2, s17  }
0x8e: {  	[smem:$0x3FC6] =	sst s2  }
0x8f: {  	_ = 	snop  }
0x90: {  	s2 =	sld [smem:$0x3FD0];
	(tm) =	ssettm $0x1  }
0x91: {  	s18 =	sld [smem:$0x3FFB];
	_ =	sdelay $0x3  }
0x92: {  	_ =	strace s18  }
0x93: {  	s3 =	sld [smem:$0x3FFC];
	_ =	sdelay $0x3  }
0x94: {  	_ =	strace s3  }
0x95: {  	s3 =	sld [smem:$0x3FFD];
	_ =	sdelay $0x3  }
0x96: {  	_ =	strace s3  }
0x97: {  	_ =	strace $0x8FFFFFFF  }
0x98: {  	s19 =	sld [smem:$0x3FDB];
	_ =	sdelay $0x1  }
0x99: {  	s4 =	simm.s32 $_scs_section_size  }
0x9a: {  	s5 =	simm.s32 $_size__tile_overlayer_lowered;
	s6 =	simm.s32 $_tile_overlayer_lowered  }
0x9b: {  	s22 =	simm.s32 $0x1BFF;
	s21 =	sshll.u32 s6, $0x1;
	s3 =	sadd.s32 s4, s19  }
0x9c: {  	s7 =	simm.s32 $0x0;
	s20 =	sshll.u32 s5, $0x1;
	s5 =	sadd.s32 s21, s3  }
0x9d: {  	[timem:s7], [sflag:s22] =	dma.local [hbm:s5], s20  }
0x9e: {  	_ =	swait.ge [sflag:s22], s20  }
0x9f: {  	s4 =	ssub.s32 $0x0, s20;
	[sflag:s22] =	ssyncset.done $0x0  }
0xa0: {  	[sflag:s22] =	ssyncadd.s32 s4;
	_ =	sdelay $0x1  }
0xa1: {  	s23 =	simm.s32 $0x1B8B  }
0xa2: {  	_ =	swait.ge [sflag:s23], $0x1  }
0xa3: {  	[sflag:s23] =	ssyncset.done $0x0  }
0xa4: {  	s25 =	simm.s32 $0x1B8E;
	s24 =	sld [smem:$0x3FFE];
	[sflag:s23] =	ssyncadd.s32 $0xFFFFFFFF  }
0xa5: {  	s26 =	simm.s32 $execute0_lowered;
	[smem:$0x3FD2] =	sst s25  }
0xa6: {  	s5 =	sshll.u32 s26, $0x1;
	_ =	strace $0x80000046;
	[dreg:$0x1] =	wrdreg $0xFFFFFFFF  }
0xa7: {  	s28 =	simm.s32 $_size_execute0_lowered;
	s3 =	sadd.s32 s3, s5;
	[dreg:$0x0] =	wrdreg $0x0  }
0xa8: {  	s5 =	sshll.u32 s28, $0x1;
	[dreg:$0x2] =	wrdreg s3  }
0xa9: {  	[dreg:$0x3] =	wrdreg s5  }
0xaa: {  	[dreg:$0x4] =	wrdreg $0xC0  }
0xab: {  	_ =	task [dreg:s7], $0x5FFFF  }
0xac: {  	[dreg:$0x1] =	wrdreg $0xFFFFFFFF  }
0xad: {  	[dreg:$0x0] =	wrdreg $0x60  }
0xae: {  	[dreg:$0x2] =	wrdreg s24  }
0xaf: {  	[dreg:$0x3] =	wrdreg s2  }
0xb0: {  	[dreg:$0x4] =	wrdreg $0xA4800  }
0xb1: {  	[dreg:$0x5] =	wrdreg $0x9  }
0xb2: {  	_ =	task.clear_ibuf [dreg:s7], $0x6FFFF;
	_ =	strace $0x90000046  }
0xb3: {  	s29 =	simm.s32 $0x9;
	_ =	strace $0x80000048  }
0xb4: {  	_ =	swait.ge [sflag:s29], $0x1  }
0xb5: {  	[sflag:s29] =	ssyncadd.s32 $0xFFFFFFFF  }
0xb6: {  	_ =	strace $0x90000048  }
0xb7: {  	_ =	sfence  }
0xb8: {  	s30 =	sld [smem:$0x0];
	_ =	sdelay $0x2  }
0xb9: {  	s31 =	sshll.u32 s1, $0xD;
	s1 =	sshrl.u32 s1, $0x2  }
0xba: {  	s3 =	sand.u32 $0x4000, s31;
	s1 =	sadd.s32 s1, s30  }
0xbb: {  	s0 =	sor.u32 s3, s0;
	s1 =	sshll.u32 s1, $0x11  }
0xbc: {  	s0 =	sor.u32 s1, s0  }
0xbd: {  	s0 =	sadd.s32 $0x8F2B, s0  }
0xbe: {  	[sflag:s0] =	ssyncadd.remote.s32 $0x1  }
0xbf: {  	_ =	sfence.sel $0xFFFF  }
0xc0: {  	[dreg:$0x0] =	wrdreg $0xFFFFFFFF;
	(pc) =	sbr.abs _section_cstart, $3  }
0xc1: {  	[dreg:$0x1] =	wrdreg $0xFFFFFFFF  }
0xc2: {  	_ =	task.clear_ibuf [dreg:s7], $0x2FFFF;
	_ =	strace $0x9FFFFFFF  }
0xc3: {  	(tm) =	ssettm $0x7FFFFFFF  }
tec
execute0_lowered:
.L_overlay_start_1:
0x0: {  	(tag) =	ssettag $0x1  }
0x1: {  	s4 =	rddreg [dreg:$0x0]  }
0x2: {  	s1 =	srdreg.scid;
	s7 =	rddreg [dreg:$0x1]  }
0x3: {  	s0 =	stileid.u32;
	s2 =	rddreg [dreg:$0x2]  }
0x4: {  	s3 =	simm.s32 $0x0;
	s5 =	sand.u32 $0x1, s1;
	s1 =	rddreg [dreg:$0x3]  }
0x5: {  	s9 =	sshll.u32 s0, $0x7;
	[smem:$0x7FF] =	sst s3;
	s31 =	sshll.u32 s0, $0xD  }
0x6: {  	s6 =	sshll.u32 s5, $0xB;
	s5 =	ssub.s32 $0x2, s5;
	_ =	strace $0x80000047  }
0x7: {  	s11 =	sor.u32 $0x10, s9;
	s12 =	sor.u32 $0x20, s9;
	s13 =	sor.u32 $0x30, s9  }
0x8: {  	s14 =	sor.u32 $0x40, s9;
	s15 =	sor.u32 $0x50, s9;
	s16 =	sor.u32 $0x60, s9  }
0x9: {  	v7 =	vlaneseq.u32;
	s17 =	sor.u32 $0x70, s9;
	s6 =	sor.u32 s9, s6;
	s10 =	sshrl.u32 s5, $0x1  }
0xa: {  	v0 =	vor.u32 s9, v7;
	v1 =	vor.u32 s11, v7;
	s9 =	simm.s32 $0x80;
	s11 =	simm.s32 $0x3;
	v2 =	vor.u32 s12, v7;
	s12 =	simm.s32 $0x6400  }
0xb: {  	v3 =	vor.u32 s13, v7;
	v4 =	vor.u32 s14, v7;
	s13 =	simm.s32 $0x8400;
	s14 =	simm.s32 $0x1;
	v5 =	vor.u32 s15, v7;
	s15 =	simm.s32 $0xA400  }
0xc: {  	v6 =	vor.u32 s16, v7;
	v7 =	vor.u32 s17, v7;
	s16 =	simm.s32 $0x2;
	s17 =	simm.s32 $0x0;
	s8 =	sshrl.u32 s6, $0x3  }
0xd: {  	s10 =	ssub.s32 s5, s10;
	s18 =	sshll.u32 s6, $0x3;
	s6 =	sadd.s32 s31, s2  }
0xe: {  	s8 =	sadd.s32 s8, s4;
	s4 =	sadd.s32 $0x19400, s4;
	s7 =	sadd.s32 s7, s18  }
0xf: {  	s5 =	sadd.s32 $0x400, s8;
	s8 =	smax.u32 s10, $0x1;
	s10 =	simm.s32 $0x1000  }
.LBB2_1:
0x10: {  	[tilespmem:s3], [sflag:$0x3] =	stream.strided.gather [hbm4b:s5+s9], $0x6400, s10, s9, $0x38;
	[tilespmem:$0xC480] =	vst v63  }
0x11: {  	_ =	swait.ge [sflag:s11], $0x6400  }
0x12: {  	[sflag:s11] =	ssyncset.done $0x0  }
0x13: {  	s18 =	simm.s32 $0x0;
	[sflag:s11] =	ssyncadd.s32 $0xFFFF9C00  }
0x14: {  	v8 =	vld [tilespmem:s18+$0x0]  }
0x15: {  	v9 =	vld [tilespmem:s18+$0x10]  }
0x16: {  	v13 =	vld [tilespmem:s18+$0x30];
	_ =	sdelay $0x2  }
0x17: {  	v10 =	vshll.u32 v8, $0x1  }
0x18: {  	v11 =	vld [tilespmem:s18+$0x20];
	v12 =	vand.u32 $0xFFFFC000, v8;
	v8 =	vshrl.u32 v8, $0xD;
	v14 =	vand.u32 $0xFFFFC000, v9  }
0x19: {  	v15 =	vshll.u32 v13, $0x1;
	v17 =	vand.u32 $0xFFFFC000, v13;
	v13 =	vshrl.u32 v13, $0xD  }
0x1a: {  	v10 =	vand.u32 $0x3FFE, v10;
	v8 =	vand.u32 $0x1, v8;
	v15 =	vand.u32 $0x3FFE, v15  }
0x1b: {  	v16 =	vld [tilespmem:s18+$0x40];
	v10 =	vor.u32 v12, v10;
	v12 =	vshll.u32 v9, $0x1;
	v9 =	vshrl.u32 v9, $0xD  }
0x1c: {  	v15 =	vor.u32 v17, v15;
	v17 =	vand.u32 $0x1, v13;
	v12 =	vand.u32 $0x3FFE, v12  }
0x1d: {  	v13 =	vld [tilespmem:s18+$0x50];
	v8 =	vor.u32 v8, v10;
	v10 =	vor.u32 v14, v12;
	v14 =	vshll.u32 v11, $0x1  }
0x1e: {  	v12 =	vand.u32 $0xFFFFC000, v11;
	v11 =	vshrl.u32 v11, $0xD;
	v14 =	vand.u32 $0x3FFE, v14  }
0x1f: {  	v9 =	vand.u32 $0x1, v9;
	v11 =	vand.u32 $0x1, v11;
	v14 =	vor.u32 v12, v14  }
0x20: {  	v12 =	vor.u32 v9, v10;
	v9 =	vor.u32 v17, v15;
	v10 =	vld [tilespmem:s18+$0x60];
	v15 =	vshll.u32 v16, $0x1  }
0x21: {  	s19 =	simm.s32 $0x200;
	v11 =	vor.u32 v11, v14;
	v14 =	vand.u32 $0xFFFFC000, v16;
	v16 =	vshrl.u32 v16, $0xD  }
.LBB2_2:
0x22: {  	p0 =	sne.s32 s19, $0x18E00;
	v15 =	vand.u32 $0x3FFE, v15;
	v16 =	vand.u32 $0x1, v16;
	v17 =	vshll.u32 v13, $0x1;
	v18 =	vld [tilespmem:s18+$0x70]  }
0x23: {  	v19 =	vand.u32 $0xFFFFC000, v13;
	v13 =	vshrl.u32 v13, $0xD;
	v17 =	vand.u32 $0x3FFE, v17  }
0x24: {  	s20 =	sshra.s32 s19, $0x2;
	v13 =	vand.u32 $0x1, v13;
	[tilespmem:s18+$0x0] =	vst v8;
	v8 =	vor.u32 v14, v15;
	v14 =	vor.u32 v19, v17  }
0x25: {  	v15 =	vld [tilespmem:s20+$0x0];
	[tilespmem:s18+$0x10] =	vst v12;
	v8 =	vor.u32 v16, v8;
	v12 =	vor.u32 v13, v14;
	v13 =	vshll.u32 v10, $0x1  }
0x26: {  	[tilespmem:s18+$0x20] =	vst v11;
	v11 =	vand.u32 $0xFFFFC000, v10;
	v13 =	vand.u32 $0x3FFE, v13;
	v10 =	vshrl.u32 v10, $0xD  }
0x27: {  	v14 =	vld [tilespmem:s20+$0x10];
	[tilespmem:s18+$0x30] =	vst v9;
	v9 =	vor.u32 v11, v13;
	v10 =	vand.u32 $0x1, v10;
	v11 =	vshll.u32 v18, $0x1  }
0x28: {  	v13 =	vshrl.u32 v18, $0xD;
	[tilespmem:s18+$0x40] =	vst v8;
	v8 =	vand.u32 $0xFFFFC000, v18;
	v11 =	vand.u32 $0x3FFE, v11  }
0x29: {  	v9 =	vor.u32 v10, v9;
	v10 =	vand.u32 $0x1, v13;
	[tilespmem:s18+$0x50] =	vst v12;
	v8 =	vor.u32 v8, v11  }
0x2a: {  	v11 =	vshll.u32 v15, $0x1;
	v12 =	vld [tilespmem:s20+$0x20];
	[tilespmem:s18+$0x60] =	vst v9;
	v8 =	vor.u32 v10, v8  }
0x2b: {  	v9 =	vand.u32 $0xFFFFC000, v15;
	v10 =	vand.u32 $0x3FFE, v11;
	v11 =	vshrl.u32 v15, $0xD;
	v15 =	vld [tilespmem:s20+$0x30];
	[tilespmem:s18+$0x70] =	vst v8;
	s18 =	smov.u32 s20  }
0x2c: {  	v8 =	vor.u32 v9, v10;
	v9 =	vand.u32 $0x1, v11;
	v10 =	vshll.u32 v14, $0x1  }
0x2d: {  	v11 =	vand.u32 $0xFFFFC000, v14;
	v13 =	vshrl.u32 v14, $0xD;
	v10 =	vand.u32 $0x3FFE, v10  }
0x2e: {  	v8 =	vor.u32 v9, v8;
	v9 =	vor.u32 v11, v10;
	v10 =	vand.u32 $0x1, v13  }
0x2f: {  	v11 =	vand.u32 $0xFFFFC000, v12;
	v13 =	vshll.u32 v12, $0x1;
	v12 =	vshrl.u32 v12, $0xD;
	v16 =	vld [tilespmem:s18+$0x40]  }
.Ltmp0:
0x30: {  	v14 =	vand.u32 $0x3FFE, v13;
	v17 =	vand.u32 $0x1, v12;
	v12 =	vshll.u32 v15, $0x1;
	v13 =	vld [tilespmem:s18+$0x50];
	(pc) =	sbr.rel @p0 .LBB2_2-.Ltmp0, $4  }
0x31: {  	v18 =	vand.u32 $0xFFFFC000, v15;
	v15 =	vshrl.u32 v15, $0xD;
	v12 =	vand.u32 $0x3FFE, v12  }
0x32: {  	v11 =	vor.u32 v11, v14;
	v15 =	vand.u32 $0x1, v15;
	v14 =	vor.u32 v18, v12  }
0x33: {  	v12 =	vor.u32 v10, v9;
	v11 =	vor.u32 v17, v11;
	v9 =	vor.u32 v15, v14;
	v10 =	vld [tilespmem:s18+$0x60]  }
0x34: {  	s19 =	sadd.s32 $0x200, s19;
	v14 =	vand.u32 $0xFFFFC000, v16;
	v15 =	vshll.u32 v16, $0x1;
	v16 =	vshrl.u32 v16, $0xD  }
0x35: {  	v15 =	vand.u32 $0x3FFE, v15;
	v16 =	vand.u32 $0x1, v16;
	v17 =	vshll.u32 v13, $0x1;
	v18 =	vld [tilespmem:s18+$0x70]  }
0x36: {  	v19 =	vand.u32 $0xFFFFC000, v13;
	v54 =	vshrl.u32 v13, $0xD;
	v17 =	vand.u32 $0x3FFE, v17  }
0x37: {  	[tilespmem:s18+$0x0] =	vst v8;
	v8 =	vor.u32 v14, v15;
	v13 =	vand.u32 $0x1, v54;
	v55 =	vor.u32 v19, v17  }
0x38: {  	[tilespmem:s18+$0x10] =	vst v12;
	v8 =	vor.u32 v16, v8;
	v56 =	vor.u32 v13, v55;
	v57 =	vshll.u32 v10, $0x1  }
0x39: {  	[tilespmem:s18+$0x20] =	vst v11;
	v58 =	vand.u32 $0xFFFFC000, v10;
	v59 =	vshrl.u32 v10, $0xD;
	v13 =	vand.u32 $0x3FFE, v57  }
0x3a: {  	[tilespmem:s18+$0x30] =	vst v9;
	v10 =	vand.u32 $0x1, v59;
	v60 =	vor.u32 v58, v13;
	v61 =	vshll.u32 v18, $0x1  }
0x3b: {  	[tilespmem:s18+$0x40] =	vst v8;
	v8 =	vand.u32 $0xFFFFC000, v18;
	v62 =	vshrl.u32 v18, $0xD;
	v11 =	vand.u32 $0x3FFE, v61  }
0x3c: {  	[tilespmem:s18+$0x50] =	vst v56;
	v9 =	vor.u32 v10, v60;
	v63 =	vand.u32 $0x1, v62;
	v8 =	vor.u32 v8, v11  }
0x3d: {  	[tilespmem:s18+$0x60] =	vst v9;
	v8 =	vor.u32 v63, v8  }
0x3e: {  	[tilespmem:s18+$0x70] =	vst v8  }
0x3f: {  	[tilespmem:$0xA400] =	vst v0  }
0x40: {  	[tilespmem:$0xA410] =	vst v1  }
0x41: {  	[tilespmem:$0xA420] =	vst v2  }
0x42: {  	[tilespmem:$0xA430] =	vst v3  }
0x43: {  	[tilespmem:$0xA440] =	vst v4  }
0x44: {  	[tilespmem:$0xA450] =	vst v5  }
0x45: {  	[tilespmem:$0xA460] =	vst v6  }
0x46: {  	[tilespmem:$0xA470] =	vst v7  }
0x47: {  	[tilespmem:s12], [sflag:$0x1] =	stream.indirect.gather [hbm4b:s4+s9], $0x40, s3, s9, $0xb8;
	[tilespmem:$0xC480] =	vst v63  }
0x48: {  	_ = 	snop  }
0x49: {  	[tilespmem:s13], [sflag:$0x2] =	stream.indirect.gather [hbm4b:s4+s9], $0x40, s9, s9, $0xb8;
	[tilespmem:$0xC480] =	vst v63  }
0x4a: {  	_ =	swait.ge [sflag:s14], $0x2000  }
0x4b: {  	[sflag:s14] =	ssyncset.done $0x0  }
0x4c: {  	[sflag:s14] =	ssyncadd.s32 $0xFFFFE000  }
0x4d: {  	[spmem:s2] =	stream.indirect.scatter [tilespmem:s12], [sflag:$0x3], $0x40, s15, s9, $0xb8;
	[tilespmem:$0xC480] =	vst v63  }
0x4e: {  	_ =	swait.ge [sflag:s11], $0x2000  }
0x4f: {  	[sflag:s11] =	ssyncset.done $0x0  }
0x50: {  	[sflag:s11] =	ssyncadd.s32 $0xFFFFE000  }
0x51: {  	_ =	swait.ge [sflag:s16], $0x2000  }
0x52: {  	[sflag:s16] =	ssyncset.done $0x0  }
0x53: {  	[sflag:s16] =	ssyncadd.s32 $0xFFFFE000  }
0x54: {  	[spmem:s2] =	stream.indirect.scatter.add.f32 [tilespmem:s13], [sflag:$0x3], $0x40, s15, s9, $0xb8;
	[tilespmem:$0xC480] =	vst v63  }
0x55: {  	_ =	swait.ge [sflag:s11], $0x2000  }
0x56: {  	[sflag:s11] =	ssyncset.done $0x0  }
0x57: {  	s30 =	simm.s32 $0x100;
	[sflag:s11] =	ssyncadd.s32 $0xFFFFE000  }
0x58: {  	[tilespmem:s12], [sflag:$0x1] =	stream.indirect.gather [hbm4b:s4+s9], $0x40, s30, s9, $0xb8;
	[tilespmem:$0xC480] =	vst v63  }
0x59: {  	s31 =	simm.s32 $0x180  }
0x5a: {  	[tilespmem:s13], [sflag:$0x2] =	stream.indirect.gather [hbm4b:s4+s9], $0x40, s31, s9, $0xb8;
	[tilespmem:$0xC480] =	vst v63  }
0x5b: {  	_ =	swait.ge [sflag:s14], $0x2000  }
0x5c: {  	[sflag:s14] =	ssyncset.done $0x0  }
0x5d: {  	[sflag:s14] =	ssyncadd.s32 $0xFFFFE000  }
0x5e: {  	[spmem:s2] =	stream.indirect.scatter.add.f32 [tilespmem:s12], [sflag:$0x3], $0x40, s15, s9, $0xb8;
	[tilespmem:$0xC480] =	vst v63  }
0x5f: {  	_ =	swait.ge [sflag:s11], $0x2000  }
0x60: {  	[sflag:s11] =	ssyncset.done $0x0  }
0x61: {  	[sflag:s11] =	ssyncadd.s32 $0xFFFFE000  }
0x62: {  	_ =	swait.ge [sflag:s16], $0x2000  }
0x63: {  	[sflag:s16] =	ssyncset.done $0x0  }
0x64: {  	[sflag:s16] =	ssyncadd.s32 $0xFFFFE000  }
0x65: {  	[spmem:s2] =	stream.indirect.scatter.add.f32 [tilespmem:s13], [sflag:$0x3], $0x40, s15, s9, $0xb8;
	[tilespmem:$0xC480] =	vst v63  }
0x66: {  	_ =	swait.ge [sflag:s11], $0x2000  }
0x67: {  	s19 =	simm.s32 $0xFFFE7C00;
	s18 =	simm.s32 $0xFFFF9E00;
	[sflag:s11] =	ssyncset.done $0x0  }
.LBB2_4:
0x68: {  	s20 =	sadd.s32 $0x6400, s18  }
0x69: {  	[sflag:s11] =	ssyncadd.s32 $0xFFFFE000;
	s21 =	smov.u32 s19;
	s22 =	sadd.s32 $0x400, s19  }
0x6a: {  	[tilespmem:s12], [sflag:$0x1] =	stream.indirect.gather [hbm4b:s4+s9], $0x40, s20, s9, $0xb8;
	[tilespmem:$0xC480] =	vst v63  }
0x6b: {  	p0 =	sne.s32 s19, $0xFFFFFC00;
	s18 =	sadd.s32 $0x6480, s18  }
0x6c: {  	[tilespmem:s13], [sflag:$0x2] =	stream.indirect.gather [hbm4b:s4+s9], $0x40, s18, s9, $0xb8;
	[tilespmem:$0xC480] =	vst v63  }
0x6d: {  	_ =	swait.ge [sflag:s14], $0x2000  }
0x6e: {  	[sflag:s14] =	ssyncset.done $0x0  }
0x6f: {  	[sflag:s14] =	ssyncadd.s32 $0xFFFFE000  }
0x70: {  	[spmem:s2] =	stream.indirect.scatter.add.f32 [tilespmem:s12], [sflag:$0x3], $0x40, s15, s9, $0xb8;
	[tilespmem:$0xC480] =	vst v63  }
0x71: {  	_ =	swait.ge [sflag:s11], $0x2000  }
0x72: {  	[sflag:s11] =	ssyncset.done $0x0  }
0x73: {  	[sflag:s11] =	ssyncadd.s32 $0xFFFFE000  }
0x74: {  	_ =	swait.ge [sflag:s16], $0x2000  }
.Ltmp1:
0x75: {  	[sflag:s16] =	ssyncset.done $0x0;
	(pc) =	sbr.rel @p0 .LBB2_4-.Ltmp1, $4  }
0x76: {  	[sflag:s16] =	ssyncadd.s32 $0xFFFFE000  }
0x77: {  	[spmem:s2] =	stream.indirect.scatter.add.f32 [tilespmem:s13], [sflag:$0x3], $0x40, s15, s9, $0xb8;
	[tilespmem:$0xC480] =	vst v63  }
0x78: {  	_ =	swait.ge [sflag:s11], $0x2000  }
0x79: {  	s19 =	smov.u32 s22;
	s18 =	sshra.s32 s21, $0x2;
	[sflag:s11] =	ssyncset.done $0x0  }
0x7a: {  	s19 =	sadd.s32 $0x6400, s18;
	[sflag:s11] =	ssyncadd.s32 $0xFFFFE000  }
0x7b: {  	[tilespmem:s12], [sflag:$0x1] =	stream.indirect.gather [hbm4b:s4+s9], $0x40, s19, s9, $0xb8;
	[tilespmem:$0xC480] =	vst v63  }
0x7c: {  	s31 =	sadd.s32 $0x6480, s18  }
0x7d: {  	[tilespmem:s13], [sflag:$0x2] =	stream.indirect.gather [hbm4b:s4+s9], $0x40, s31, s9, $0xb8;
	[tilespmem:$0xC480] =	vst v63  }
0x7e: {  	_ =	swait.ge [sflag:s14], $0x2000  }
0x7f: {  	[sflag:s14] =	ssyncset.done $0x0  }
0x80: {  	[sflag:s14] =	ssyncadd.s32 $0xFFFFE000  }
0x81: {  	[spmem:s2] =	stream.indirect.scatter.add.f32 [tilespmem:s12], [sflag:$0x3], $0x40, s15, s9, $0xb8;
	[tilespmem:$0xC480] =	vst v63  }
0x82: {  	_ =	swait.ge [sflag:s11], $0x2000  }
0x83: {  	[sflag:s11] =	ssyncset.done $0x0  }
0x84: {  	[sflag:s11] =	ssyncadd.s32 $0xFFFFE000  }
0x85: {  	_ =	swait.ge [sflag:s16], $0x2000  }
0x86: {  	[sflag:s16] =	ssyncset.done $0x0  }
0x87: {  	[sflag:s16] =	ssyncadd.s32 $0xFFFFE000  }
0x88: {  	[spmem:s2] =	stream.indirect.scatter.add.f32 [tilespmem:s13], [sflag:$0x3], $0x40, s15, s9, $0xb8;
	[tilespmem:$0xC480] =	vst v63  }
0x89: {  	_ =	swait.ge [sflag:s11], $0x2000  }
0x8a: {  	[sflag:s11] =	ssyncset.done $0x0  }
0x8b: {  	[sflag:s11] =	ssyncadd.s32 $0xFFFFE000  }
0x8c: {  	[tilespmem:s12], [sflag:$0x3] =	stream.linear.gather [spmem:s6], $0x2000, $0x38;
	[tilespmem:$0xC480] =	vst v63  }
0x8d: {  	_ =	swait.ge [sflag:s11], $0x2000  }
0x8e: {  	[sflag:s11] =	ssyncset.done $0x0  }
0x8f: {  	s18 =	simm.s32 $0x0;
	[sflag:s11] =	ssyncadd.s32 $0xFFFFE000  }
0x90: {  	v8 =	vld [tilespmem:s18+$0x6400]  }
0x91: {  	v10 =	vld [tilespmem:s18+$0x6410]  }
0x92: {  	s19 =	simm.s32 $0x100;
	v9 =	vld [tilespmem:s18+$0x6420]  }
.LBB2_6:
0x93: {  	p0 =	sne.s32 s19, $0x7F00;
	v11 =	vld [tilespmem:s18+$0x6430];
	_ =	sdelay $0x1  }
0x94: {  	v8 =	vmul.f32 $4.999999890e-03, v8  }
.Ltmp2:
0x95: {  	v10 =	vmul.f32 $4.999999890e-03, v10;
	(pc) =	sbr.rel @p0 .LBB2_6-.Ltmp2, $4  }
0x96: {  	s20 =	sshra.s32 s19, $0x2;
	[tilespmem:s18+$0x6400] =	vst v8;
	v9 =	vmul.f32 $4.999999890e-03, v9  }
0x97: {  	v8 =	vld [tilespmem:s20+$0x6400];
	[tilespmem:s18+$0x6410] =	vst v10;
	v11 =	vmul.f32 $4.999999890e-03, v11  }
0x98: {  	v10 =	vld [tilespmem:s20+$0x6410];
	[tilespmem:s18+$0x6420] =	vst v9  }
0x99: {  	s19 =	sadd.s32 $0x100, s19;
	v9 =	vld [tilespmem:s20+$0x6420];
	[tilespmem:s18+$0x6430] =	vst v11;
	s18 =	smov.u32 s20  }
0x9a: {  	v11 =	vld [tilespmem:s18+$0x6430];
	_ =	sdelay $0x1  }
0x9b: {  	v8 =	vmul.f32 $4.999999890e-03, v8  }
0x9c: {  	v10 =	vmul.f32 $4.999999890e-03, v10  }
0x9d: {  	[tilespmem:s18+$0x6400] =	vst v8;
	v8 =	vmul.f32 $4.999999890e-03, v9  }
0x9e: {  	s17 =	sadd.s32 $0x1, s17;
	[tilespmem:s18+$0x6410] =	vst v10;
	v63 =	vmul.f32 $4.999999890e-03, v11  }
0x9f: {  	p0 =	sne.s32 s17, s8;
	[tilespmem:s18+$0x6420] =	vst v8  }
.Ltmp3:
0xa0: {  	[tilespmem:s18+$0x6430] =	vst v63;
	(pc) =	sbr.rel @p0 .LBB2_1-.Ltmp3, $4  }
0xa1: {  	[hbm4b:s7+s3] =	stream.linear.scatter [tilespmem:s12], [sflag:$0x3], $0x2000, $0x38;
	[tilespmem:$0xC480] =	vst v63  }
0xa2: {  	_ =	swait.ge [sflag:s11], $0x2000  }
0xa3: {  	[sflag:s11] =	ssyncset.done $0x0  }
0xa4: {  	[sflag:s11] =	ssyncadd.s32 $0xFFFFE000  }
0xa5: {  	_ =	sfence.sel $0x180000  }
0xa6: {  	[bflag:$0x0] =	sbarrier.arrive $0xFFFF  }
0xa7: {  	p0 =	sne.s32 s0, $0x0;
	_ =	strace $0x90000047  }
0xa8: {  	s0 =	sadd.s32 @!p0 $0x100000, s1;
	[bflag:$0x2] =	sbarrier.arrive $0xFFFF  }
0xa9: {  	[sflag:s0] =	ssyncadd.tile.s32 @!p0 $0x1;
	_ =	shalt  }
.Lfunc_end2:
_tile_overlayer_lowered:
.L_overlay_start_2:
0xaa: {  	(tag) =	ssettag $0x2  }
0xab: {  	s0 =	rddreg [dreg:$0x0];
	s2 =	stileid.u32  }
0xac: {  	s1 =	rddreg [dreg:$0x1];
	p0 =	sne.s32 s2, $0x0  }
0xad: {  	s3 =	rddreg [dreg:$0x2];
	[bflag:$0x3] =	sbarrier.arrive $0xFFFF;
	s2 =	simm.s32 @!p0 $0x1C03  }
0xae: {  	[timem:s3], [sflag:s2] =	dma.local @!p0 [hbm:s0], s1  }
0xaf: {  	s0 =	simm.s32 @!p0 $0x3  }
0xb0: {  	_ =	swait.ge @!p0 [sflag:s0], s1  }
0xb1: {  	s1 =	ssub.s32 @!p0 $0x0, s1;
	[sflag:s0] =	ssyncset.done @!p0 $0x0  }
0xb2: {  	[sflag:s0] =	ssyncadd.s32 @!p0 s1  }
0xb3: {  	[bflag:$0x3] =	sbarrier.arrive $0xFFFF  }
0xb4: {  	_ =	shalt  }

</sc_bundles>
